<compile_context>
chip_gen: v7x
topology: tpu7x:2x2x1
jax: 0.10.2.dev20260603
libtpu: 0.0.44.dev20260713+nightly
codegen_flags: <defaults>
</compile_context>

<pallas_src>
import functools

import jax
import jax.numpy as jnp
from jax import lax
from jax.experimental import pallas as pl
from jax.experimental.pallas import tpu as pltpu
from jax.experimental.pallas import tpu_sc as plsc

NC = 2
NS = 16
NW = NC * NS
L = 16

_B = 2048
_STEPS = _B // L
_UNROLL = 8


@functools.cache
def _build(n_vars, n_constrs, nnz):
    tpc = n_constrs // NW
    rs = tpc + 1
    mesh = plsc.VectorSubcoreMesh(core_axis_name="c", subcore_axis_name="s")

    @functools.partial(
        pl.kernel,
        out_type=jax.ShapeDtypeStruct((NW, 128), jnp.float32),
        mesh=mesh,
        compiler_params=pltpu.CompilerParams(needs_layout_passes=False),
        scratch_types=[
            pltpu.VMEM((n_vars,), jnp.float32),
            pltpu.VMEM((L * rs,), jnp.float32),
            pltpu.VMEM((_B,), jnp.int32),
            pltpu.VMEM((_B,), jnp.int32),
            pltpu.VMEM((_B,), jnp.int32),
            pltpu.VMEM((_B,), jnp.int32),
            pltpu.VMEM((_B,), jnp.float32),
            pltpu.VMEM((_B,), jnp.float32),
            pltpu.VMEM((tpc,), jnp.float32),
            pltpu.VMEM((tpc,), jnp.int32),
            pltpu.VMEM((128,), jnp.int32),
            pltpu.VMEM((128,), jnp.float32),
            pltpu.SemaphoreType.DMA,
        ],
    )
    def k(pred_h, cidx_h, vidx_h, coeff_h, rhs_h, sense_h, bounds_h, out_h,
          probs_v, acc_v, cidx_b0, cidx_b1, vidx_b0, vidx_b1, coeff_b0,
          coeff_b1, rhs_b, sense_b, bounds_v, psum_b, sem):
        cidx_b = (cidx_b0, cidx_b1)
        vidx_b = (vidx_b0, vidx_b1)
        coeff_b = (coeff_b0, coeff_b1)
        cid = lax.axis_index("c")
        sid = lax.axis_index("s")
        wid = sid * NC + cid
        lane = lax.iota(jnp.int32, L)

        pltpu.sync_copy(pred_h, probs_v)
        pltpu.sync_copy(bounds_h, bounds_v)

        def sig_body(i, _):
            for u in range(_UNROLL):
                o = (i * _UNROLL + u) * L
                x = probs_v[pl.ds(o, L)]
                probs_v[pl.ds(o, L)] = 1.0 / (1.0 + jnp.exp(-x))
            return _

        lax.fori_loop(0, n_vars // (L * _UNROLL), sig_body, 0)

        start = bounds_v[pl.ds(wid, L)][0]
        end = bounds_v[pl.ds(wid + 1, L)][0]
        base_c = pl.multiple_of(wid * tpc, 16)

        zv = jnp.zeros((L,), jnp.float32)

        def z_body(i, _):
            acc_v[pl.ds(i * L, L)] = zv
            return _

        lax.fori_loop(0, (L * rs) // L, z_body, 0)

        a0 = jnp.bitwise_and(start, jnp.int32(-16))
        nblocks = (end - a0 + (_B - 1)) // _B
        lane_row = lane * rs

        def clamp_off(b):
            return pl.multiple_of(
                jnp.minimum(a0 + b * _B, jnp.int32(nnz - _B)), 16)

        def fetch(b, slot):
            off = clamp_off(b)
            pltpu.async_copy(cidx_h.at[pl.ds(off, _B)], cidx_b[slot], sem)
            pltpu.async_copy(vidx_h.at[pl.ds(off, _B)], vidx_b[slot], sem)
            pltpu.async_copy(coeff_h.at[pl.ds(off, _B)], coeff_b[slot], sem)

        def drain(slot):
            pltpu.make_async_copy(cidx_h.at[pl.ds(0, _B)], cidx_b[slot],
                                  sem).wait()
            pltpu.make_async_copy(vidx_h.at[pl.ds(0, _B)], vidx_b[slot],
                                  sem).wait()
            pltpu.make_async_copy(coeff_h.at[pl.ds(0, _B)], coeff_b[slot],
                                  sem).wait()

        def compute(b, slot):
            offc = clamp_off(b)
            offl = a0 + b * _B
            lo = jnp.maximum(start, offl)
            hi = jnp.minimum(end, offl + _B)
            interior = jnp.logical_and(lo == offc, hi == offc + _B)

            @pl.when(interior)
            def _():
                def step(s2, _2):
                    for u in range(_UNROLL):
                        o = (s2 * _UNROLL + u) * L
                        c = cidx_b[slot][pl.ds(o, L)]
                        v = vidx_b[slot][pl.ds(o, L)]
                        w = coeff_b[slot][pl.ds(o, L)]
                        p = plsc.load_gather(probs_v, [v])
                        slot_idx = lane_row + (c - base_c)
                        plsc.addupdate_scatter(acc_v, [slot_idx], w * p)
                    return _2

                lax.fori_loop(0, _STEPS // _UNROLL, step, 0)

            @pl.when(jnp.logical_not(interior))
            def _():
                def step(s2, _2):
                    c = cidx_b[slot][pl.ds(s2 * L, L)]
                    v = vidx_b[slot][pl.ds(s2 * L, L)]
                    w = coeff_b[slot][pl.ds(s2 * L, L)]
                    pos = offc + s2 * L + lane
                    m = (pos >= lo) & (pos < hi)
                    p = plsc.load_gather(probs_v, [v], mask=m)
                    slot_idx = jnp.where(m, lane_row + (c - base_c), 0)
                    plsc.addupdate_scatter(acc_v, [slot_idx], w * p, mask=m)
                    return _2

                lax.fori_loop(0, _STEPS, step, 0)

        @pl.when(nblocks > 0)
        def _():
            fetch(0, 0)

        def pair_body(m, carry):
            b0 = 2 * m
            b1 = b0 + 1

            drain(0)

            @pl.when(b1 < nblocks)
            def _():
                fetch(b1, 1)

            compute(b0, 0)

            @pl.when(b1 < nblocks)
            def _():
                drain(1)

                @pl.when(b1 + 1 < nblocks)
                def _():
                    fetch(b1 + 1, 0)

                compute(b1, 1)

            return carry

        lax.fori_loop(0, (nblocks + 1) // 2, pair_body, 0)

        pltpu.sync_copy(rhs_h.at[pl.ds(base_c, tpc)], rhs_b)
        pltpu.sync_copy(sense_h.at[pl.ds(base_c, tpc)], sense_b)

        def fin(q, ps):
            ax = acc_v[pl.ds(q * L, L)]
            for r in range(1, L):
                ax = ax + acc_v[pl.ds(r * rs + q * L, L)]
            d = ax - rhs_b[pl.ds(q * L, L)]
            ss = sense_b[pl.ds(q * L, L)]
            viol = jnp.where(
                ss == 1, jnp.maximum(d, 0.0),
                jnp.where(ss == 2, jnp.maximum(-d, 0.0),
                          jnp.where(ss == 3, jnp.abs(d),
                                    jnp.zeros((L,), jnp.float32))))
            return ps + viol

        psum = lax.fori_loop(0, tpc // L, fin, jnp.zeros((L,), jnp.float32))
        for q in range(128 // L):
            psum_b[pl.ds(q * L, L)] = psum if q == 0 else jnp.zeros(
                (L,), jnp.float32)
        pltpu.sync_copy(psum_b, out_h.at[wid])

    return k


def kernel(pred, constr_idx, var_idx, coeff, constr_rhs, constr_sense,
           n_vars, n_constrs):
    nv = pred.shape[0]
    ncs = constr_rhs.shape[0]
    nnz = constr_idx.shape[0]
    cidx = constr_idx.astype(jnp.int32)
    vidx = var_idx.astype(jnp.int32)
    sense = constr_sense.astype(jnp.int32)
    tpc = ncs // NW
    edges = jnp.arange(NW + 1, dtype=jnp.int32) * tpc
    bounds = jnp.searchsorted(cidx, edges, side="left").astype(jnp.int32)
    bounds128 = jnp.zeros((128,), jnp.int32).at[:NW + 1].set(bounds)
    partials = _build(nv, ncs, nnz)(
        pred.astype(jnp.float32), cidx, vidx, coeff.astype(jnp.float32),
        constr_rhs.astype(jnp.float32), sense, bounds128)
    return jnp.sum(partials) / ncs

# --- scband reference (transcript-rebuilt; emitter-appended) ---
"""Pipeline reference for scband-constraint-loss-39135742001660 (READ-ONLY COPY).

The authoritative reference and input builder live on the scoring server;
editing this copy changes nothing except your own understanding.
"""

import jax, jax.numpy as jnp
import numpy as np

N_VARS = 65536
N_CONSTRS = 65536
NNZ = 4194304


def setup_inputs(seed: int = 0) -> dict:
    key = jax.random.key(seed)
    k1, k2, k3, k4, k5, k6 = jax.random.split(key, 6)
    pred = jax.random.normal(k1, (N_VARS,), dtype=jnp.float32)
    constr_idx = jnp.sort(jax.random.randint(k2, (NNZ,), 0, N_CONSTRS, dtype=jnp.int64))
    var_idx = jax.random.randint(k3, (NNZ,), 0, N_VARS, dtype=jnp.int64)
    coeff = jax.random.normal(k4, (NNZ,), dtype=jnp.float32)
    constr_rhs = jax.random.normal(k5, (N_CONSTRS,), dtype=jnp.float32)
    constr_sense = jax.random.randint(k6, (N_CONSTRS,), 1, 4, dtype=jnp.int64)
    return {
        "pred": pred,
        "constr_idx": constr_idx,
        "var_idx": var_idx,
        "coeff": coeff,
        "constr_rhs": constr_rhs,
        "constr_sense": constr_sense,
        "n_vars": N_VARS,
        "n_constrs": N_CONSTRS,
    }


def reference(pred, constr_idx, var_idx, coeff, constr_rhs, constr_sense, n_vars, n_constrs):
    # probs = sigmoid(pred)
    probs = jax.nn.sigmoid(pred)
    # ax[constr_idx] += coeff * probs[var_idx]  (gather + scatter-add == segment_sum)
    contrib = coeff * jnp.take(probs, var_idx, axis=0)
    num_segments = constr_rhs.shape[0]
    ax = jax.ops.segment_sum(contrib, constr_idx, num_segments=num_segments)
    # per-sense violations
    v_le = jnp.maximum(ax - constr_rhs, 0.0)
    v_ge = jnp.maximum(constr_rhs - ax, 0.0)
    v_eq = jnp.abs(ax - constr_rhs)
    residual = (n_vars - pred.shape[0]) + (n_constrs - constr_rhs.shape[0])
    zero = jnp.zeros_like(ax) + jnp.asarray(residual).astype(ax.dtype)
    violations = jnp.where(constr_sense == 1, v_le,
                  jnp.where(constr_sense == 2, v_ge,
                   jnp.where(constr_sense == 3, v_eq, zero)))
    # reduction = 'mean'
    return jnp.mean(violations)

if __name__ == "__main__":
    import jax
    _d = setup_inputs()
    print(jax.jit(kernel)(*tuple(_d.values())))

</pallas_src>

<mosaic_0001>
#map = affine_map<(d0, d1) -> (0)>
#map1 = affine_map<(d0, d1) -> (0, 0)>
module attributes {stable_mosaic.version = 14 : i64} {
  func.func @k(%arg0: i32, %arg1: i32, %arg2: memref<65536xf32, #tpu.memory_space<hbm>>, %arg3: memref<4194304xi32, #tpu.memory_space<hbm>>, %arg4: memref<4194304xi32, #tpu.memory_space<hbm>>, %arg5: memref<4194304xf32, #tpu.memory_space<hbm>>, %arg6: memref<65536xf32, #tpu.memory_space<hbm>>, %arg7: memref<65536xi32, #tpu.memory_space<hbm>>, %arg8: memref<128xi32, #tpu.memory_space<hbm>>, %arg9: memref<32x128xf32, #tpu.memory_space<hbm>>, %arg10: memref<65536xf32, #tpu.memory_space<vmem>>, %arg11: memref<32784xf32, #tpu.memory_space<vmem>>, %arg12: memref<2048xi32, #tpu.memory_space<vmem>>, %arg13: memref<2048xi32, #tpu.memory_space<vmem>>, %arg14: memref<2048xi32, #tpu.memory_space<vmem>>, %arg15: memref<2048xi32, #tpu.memory_space<vmem>>, %arg16: memref<2048xf32, #tpu.memory_space<vmem>>, %arg17: memref<2048xf32, #tpu.memory_space<vmem>>, %arg18: memref<2048xf32, #tpu.memory_space<vmem>>, %arg19: memref<2048xi32, #tpu.memory_space<vmem>>, %arg20: memref<128xi32, #tpu.memory_space<vmem>>, %arg21: memref<128xf32, #tpu.memory_space<vmem>>, %arg22: memref<!tpu.dma_semaphore, #tpu.memory_space<semaphore_mem>>) attributes {dimension_semantics = [#tpu.dimension_semantics<core_parallel>, #tpu.dimension_semantics<subcore_parallel>], iteration_bounds = array<i64: 2, 16>, scalar_prefetch = 0 : i64, scratch_operands = 13 : i64, tpu.core_type = #tpu.core_type<sc_vector_subcore>, window_params = [{transform_indices = #map}, {transform_indices = #map}, {transform_indices = #map}, {transform_indices = #map}, {transform_indices = #map}, {transform_indices = #map}, {transform_indices = #map}, {transform_indices = #map1}]} {
    %mul3A = arith.constant 2 : i32
    %mul3A_0 = arith.muli %arg1, %mul3A : i32
    %add3A = arith.addi %mul3A_0, %arg0 : i32
    %iota3A = tpu.iota {dimensions = array<i32: 0>} : vector<16xi32>
    "tpu.region"() ({
      %run_scoped3A = tpu.sem_alloc : memref<!tpu.dma_semaphore, #tpu.memory_space<semaphore_mem>>
      tpu.enqueue_dma source(%arg2 : memref<65536xf32, #tpu.memory_space<hbm>>) target(%arg10 : memref<65536xf32, #tpu.memory_space<vmem>>) target_semaphore(%run_scoped3A : memref<!tpu.dma_semaphore, #tpu.memory_space<semaphore_mem>>)
      tpu.wait_dma2 semaphore(%run_scoped3A : memref<!tpu.dma_semaphore, #tpu.memory_space<semaphore_mem>>) src(%arg2 : memref<65536xf32, #tpu.memory_space<hbm>>) dst(%arg10 : memref<65536xf32, #tpu.memory_space<vmem>>)
      tpu.yield
    }) : () -> ()
    "tpu.region"() ({
      %run_scoped3A = tpu.sem_alloc : memref<!tpu.dma_semaphore, #tpu.memory_space<semaphore_mem>>
      tpu.enqueue_dma source(%arg8 : memref<128xi32, #tpu.memory_space<hbm>>) target(%arg20 : memref<128xi32, #tpu.memory_space<vmem>>) target_semaphore(%run_scoped3A : memref<!tpu.dma_semaphore, #tpu.memory_space<semaphore_mem>>)
      tpu.wait_dma2 semaphore(%run_scoped3A : memref<!tpu.dma_semaphore, #tpu.memory_space<semaphore_mem>>) src(%arg8 : memref<128xi32, #tpu.memory_space<hbm>>) dst(%arg20 : memref<128xi32, #tpu.memory_space<vmem>>)
      tpu.yield
    }) : () -> ()
    %scan3A = arith.constant 0 : i32
    %scan3A_1 = arith.constant 0 : i32
    %scan3A_2 = arith.constant 512 : i32
    %scan3A_3 = arith.addi %scan3A_1, %scan3A_2 : i32
    %scan3A_4 = arith.constant 1 : i32
    scf.for %scan3A_120 = %scan3A_1 to %scan3A_3 step %scan3A_4  : i32 {
      %mul3A_121 = arith.constant 8 : i32
      %mul3A_122 = arith.muli %scan3A_120, %mul3A_121 : i32
      %add3A_123 = arith.constant 0 : i32
      %add3A_124 = arith.addi %mul3A_122, %add3A_123 : i32
      %mul3A_125 = arith.constant 16 : i32
      %mul3A_126 = arith.muli %add3A_124, %mul3A_125 : i32
      %get3A_127 = arith.index_cast %mul3A_126 : i32 to index
      %get3A_128 = tpu.vector_load %arg10[%get3A_127] {strides = array<i32>} : memref<65536xf32, #tpu.memory_space<vmem>>, vector<16xf32>,
      %neg3A = arith.constant 0.000000e+00 : f32
      %neg3A_129 = vector.broadcast %neg3A : f32 to vector<16xf32>
      %neg3A_130 = arith.subf %neg3A_129, %get3A_128 : vector<16xf32>
      %exp3A = math.exp %neg3A_130 : vector<16xf32>
      %add3A_131 = arith.constant 1.000000e+00 : f32
      %add3A_132 = vector.broadcast %add3A_131 : f32 to vector<16xf32>
      %add3A_133 = arith.addf %add3A_132, %exp3A : vector<16xf32>
      %div3A_134 = arith.constant 1.000000e+00 : f32
      %div3A_135 = vector.broadcast %div3A_134 : f32 to vector<16xf32>
      %div3A_136 = arith.divf %div3A_135, %add3A_133 : vector<16xf32>
      %swap3A_137 = arith.index_cast %mul3A_126 : i32 to index
      %swap3A_138 = tpu.vector_load %arg10[%swap3A_137] {strides = array<i32>} : memref<65536xf32, #tpu.memory_space<vmem>>, vector<16xf32>,
      tpu.vector_store %arg10[%swap3A_137], %div3A_136 {strides = array<i32>} : memref<65536xf32, #tpu.memory_space<vmem>>, vector<16xf32>,
      %mul3A_139 = arith.constant 8 : i32
      %mul3A_140 = arith.muli %scan3A_120, %mul3A_139 : i32
      %add3A_141 = arith.constant 1 : i32
      %add3A_142 = arith.addi %mul3A_140, %add3A_141 : i32
      %mul3A_143 = arith.constant 16 : i32
      %mul3A_144 = arith.muli %add3A_142, %mul3A_143 : i32
      %get3A_145 = arith.index_cast %mul3A_144 : i32 to index
      %get3A_146 = tpu.vector_load %arg10[%get3A_145] {strides = array<i32>} : memref<65536xf32, #tpu.memory_space<vmem>>, vector<16xf32>,
      %neg3A_147 = arith.constant 0.000000e+00 : f32
      %neg3A_148 = vector.broadcast %neg3A_147 : f32 to vector<16xf32>
      %neg3A_149 = arith.subf %neg3A_148, %get3A_146 : vector<16xf32>
      %exp3A_150 = math.exp %neg3A_149 : vector<16xf32>
      %add3A_151 = arith.constant 1.000000e+00 : f32
      %add3A_152 = vector.broadcast %add3A_151 : f32 to vector<16xf32>
      %add3A_153 = arith.addf %add3A_152, %exp3A_150 : vector<16xf32>
      %div3A_154 = arith.constant 1.000000e+00 : f32
      %div3A_155 = vector.broadcast %div3A_154 : f32 to vector<16xf32>
      %div3A_156 = arith.divf %div3A_155, %add3A_153 : vector<16xf32>
      %swap3A_157 = arith.index_cast %mul3A_144 : i32 to index
      %swap3A_158 = tpu.vector_load %arg10[%swap3A_157] {strides = array<i32>} : memref<65536xf32, #tpu.memory_space<vmem>>, vector<16xf32>,
      tpu.vector_store %arg10[%swap3A_157], %div3A_156 {strides = array<i32>} : memref<65536xf32, #tpu.memory_space<vmem>>, vector<16xf32>,
      %mul3A_159 = arith.constant 8 : i32
      %mul3A_160 = arith.muli %scan3A_120, %mul3A_159 : i32
      %add3A_161 = arith.constant 2 : i32
      %add3A_162 = arith.addi %mul3A_160, %add3A_161 : i32
      %mul3A_163 = arith.constant 16 : i32
      %mul3A_164 = arith.muli %add3A_162, %mul3A_163 : i32
      %get3A_165 = arith.index_cast %mul3A_164 : i32 to index
      %get3A_166 = tpu.vector_load %arg10[%get3A_165] {strides = array<i32>} : memref<65536xf32, #tpu.memory_space<vmem>>, vector<16xf32>,
      %neg3A_167 = arith.constant 0.000000e+00 : f32
      %neg3A_168 = vector.broadcast %neg3A_167 : f32 to vector<16xf32>
      %neg3A_169 = arith.subf %neg3A_168, %get3A_166 : vector<16xf32>
      %exp3A_170 = math.exp %neg3A_169 : vector<16xf32>
      %add3A_171 = arith.constant 1.000000e+00 : f32
      %add3A_172 = vector.broadcast %add3A_171 : f32 to vector<16xf32>
      %add3A_173 = arith.addf %add3A_172, %exp3A_170 : vector<16xf32>
      %div3A_174 = arith.constant 1.000000e+00 : f32
      %div3A_175 = vector.broadcast %div3A_174 : f32 to vector<16xf32>
      %div3A_176 = arith.divf %div3A_175, %add3A_173 : vector<16xf32>
      %swap3A_177 = arith.index_cast %mul3A_164 : i32 to index
      %swap3A_178 = tpu.vector_load %arg10[%swap3A_177] {strides = array<i32>} : memref<65536xf32, #tpu.memory_space<vmem>>, vector<16xf32>,
      tpu.vector_store %arg10[%swap3A_177], %div3A_176 {strides = array<i32>} : memref<65536xf32, #tpu.memory_space<vmem>>, vector<16xf32>,
      %mul3A_179 = arith.constant 8 : i32
      %mul3A_180 = arith.muli %scan3A_120, %mul3A_179 : i32
      %add3A_181 = arith.constant 3 : i32
      %add3A_182 = arith.addi %mul3A_180, %add3A_181 : i32
      %mul3A_183 = arith.constant 16 : i32
      %mul3A_184 = arith.muli %add3A_182, %mul3A_183 : i32
      %get3A_185 = arith.index_cast %mul3A_184 : i32 to index
      %get3A_186 = tpu.vector_load %arg10[%get3A_185] {strides = array<i32>} : memref<65536xf32, #tpu.memory_space<vmem>>, vector<16xf32>,
      %neg3A_187 = arith.constant 0.000000e+00 : f32
      %neg3A_188 = vector.broadcast %neg3A_187 : f32 to vector<16xf32>
      %neg3A_189 = arith.subf %neg3A_188, %get3A_186 : vector<16xf32>
      %exp3A_190 = math.exp %neg3A_189 : vector<16xf32>
      %add3A_191 = arith.constant 1.000000e+00 : f32
      %add3A_192 = vector.broadcast %add3A_191 : f32 to vector<16xf32>
      %add3A_193 = arith.addf %add3A_192, %exp3A_190 : vector<16xf32>
      %div3A_194 = arith.constant 1.000000e+00 : f32
      %div3A_195 = vector.broadcast %div3A_194 : f32 to vector<16xf32>
      %div3A_196 = arith.divf %div3A_195, %add3A_193 : vector<16xf32>
      %swap3A_197 = arith.index_cast %mul3A_184 : i32 to index
      %swap3A_198 = tpu.vector_load %arg10[%swap3A_197] {strides = array<i32>} : memref<65536xf32, #tpu.memory_space<vmem>>, vector<16xf32>,
      tpu.vector_store %arg10[%swap3A_197], %div3A_196 {strides = array<i32>} : memref<65536xf32, #tpu.memory_space<vmem>>, vector<16xf32>,
      %mul3A_199 = arith.constant 8 : i32
      %mul3A_200 = arith.muli %scan3A_120, %mul3A_199 : i32
      %add3A_201 = arith.constant 4 : i32
      %add3A_202 = arith.addi %mul3A_200, %add3A_201 : i32
      %mul3A_203 = arith.constant 16 : i32
      %mul3A_204 = arith.muli %add3A_202, %mul3A_203 : i32
      %get3A_205 = arith.index_cast %mul3A_204 : i32 to index
      %get3A_206 = tpu.vector_load %arg10[%get3A_205] {strides = array<i32>} : memref<65536xf32, #tpu.memory_space<vmem>>, vector<16xf32>,
      %neg3A_207 = arith.constant 0.000000e+00 : f32
      %neg3A_208 = vector.broadcast %neg3A_207 : f32 to vector<16xf32>
      %neg3A_209 = arith.subf %neg3A_208, %get3A_206 : vector<16xf32>
      %exp3A_210 = math.exp %neg3A_209 : vector<16xf32>
      %add3A_211 = arith.constant 1.000000e+00 : f32
      %add3A_212 = vector.broadcast %add3A_211 : f32 to vector<16xf32>
      %add3A_213 = arith.addf %add3A_212, %exp3A_210 : vector<16xf32>
      %div3A_214 = arith.constant 1.000000e+00 : f32
      %div3A_215 = vector.broadcast %div3A_214 : f32 to vector<16xf32>
      %div3A_216 = arith.divf %div3A_215, %add3A_213 : vector<16xf32>
      %swap3A_217 = arith.index_cast %mul3A_204 : i32 to index
      %swap3A_218 = tpu.vector_load %arg10[%swap3A_217] {strides = array<i32>} : memref<65536xf32, #tpu.memory_space<vmem>>, vector<16xf32>,
      tpu.vector_store %arg10[%swap3A_217], %div3A_216 {strides = array<i32>} : memref<65536xf32, #tpu.memory_space<vmem>>, vector<16xf32>,
      %mul3A_219 = arith.constant 8 : i32
      %mul3A_220 = arith.muli %scan3A_120, %mul3A_219 : i32
      %add3A_221 = arith.constant 5 : i32
      %add3A_222 = arith.addi %mul3A_220, %add3A_221 : i32
      %mul3A_223 = arith.constant 16 : i32
      %mul3A_224 = arith.muli %add3A_222, %mul3A_223 : i32
      %get3A_225 = arith.index_cast %mul3A_224 : i32 to index
      %get3A_226 = tpu.vector_load %arg10[%get3A_225] {strides = array<i32>} : memref<65536xf32, #tpu.memory_space<vmem>>, vector<16xf32>,
      %neg3A_227 = arith.constant 0.000000e+00 : f32
      %neg3A_228 = vector.broadcast %neg3A_227 : f32 to vector<16xf32>
      %neg3A_229 = arith.subf %neg3A_228, %get3A_226 : vector<16xf32>
      %exp3A_230 = math.exp %neg3A_229 : vector<16xf32>
      %add3A_231 = arith.constant 1.000000e+00 : f32
      %add3A_232 = vector.broadcast %add3A_231 : f32 to vector<16xf32>
      %add3A_233 = arith.addf %add3A_232, %exp3A_230 : vector<16xf32>
      %div3A_234 = arith.constant 1.000000e+00 : f32
      %div3A_235 = vector.broadcast %div3A_234 : f32 to vector<16xf32>
      %div3A_236 = arith.divf %div3A_235, %add3A_233 : vector<16xf32>
      %swap3A_237 = arith.index_cast %mul3A_224 : i32 to index
      %swap3A_238 = tpu.vector_load %arg10[%swap3A_237] {strides = array<i32>} : memref<65536xf32, #tpu.memory_space<vmem>>, vector<16xf32>,
      tpu.vector_store %arg10[%swap3A_237], %div3A_236 {strides = array<i32>} : memref<65536xf32, #tpu.memory_space<vmem>>, vector<16xf32>,
      %mul3A_239 = arith.constant 8 : i32
      %mul3A_240 = arith.muli %scan3A_120, %mul3A_239 : i32
      %add3A_241 = arith.constant 6 : i32
      %add3A_242 = arith.addi %mul3A_240, %add3A_241 : i32
      %mul3A_243 = arith.constant 16 : i32
      %mul3A_244 = arith.muli %add3A_242, %mul3A_243 : i32
      %get3A_245 = arith.index_cast %mul3A_244 : i32 to index
      %get3A_246 = tpu.vector_load %arg10[%get3A_245] {strides = array<i32>} : memref<65536xf32, #tpu.memory_space<vmem>>, vector<16xf32>,
      %neg3A_247 = arith.constant 0.000000e+00 : f32
      %neg3A_248 = vector.broadcast %neg3A_247 : f32 to vector<16xf32>
      %neg3A_249 = arith.subf %neg3A_248, %get3A_246 : vector<16xf32>
      %exp3A_250 = math.exp %neg3A_249 : vector<16xf32>
      %add3A_251 = arith.constant 1.000000e+00 : f32
      %add3A_252 = vector.broadcast %add3A_251 : f32 to vector<16xf32>
      %add3A_253 = arith.addf %add3A_252, %exp3A_250 : vector<16xf32>
      %div3A_254 = arith.constant 1.000000e+00 : f32
      %div3A_255 = vector.broadcast %div3A_254 : f32 to vector<16xf32>
      %div3A_256 = arith.divf %div3A_255, %add3A_253 : vector<16xf32>
      %swap3A_257 = arith.index_cast %mul3A_244 : i32 to index
      %swap3A_258 = tpu.vector_load %arg10[%swap3A_257] {strides = array<i32>} : memref<65536xf32, #tpu.memory_space<vmem>>, vector<16xf32>,
      tpu.vector_store %arg10[%swap3A_257], %div3A_256 {strides = array<i32>} : memref<65536xf32, #tpu.memory_space<vmem>>, vector<16xf32>,
      %mul3A_259 = arith.constant 8 : i32
      %mul3A_260 = arith.muli %scan3A_120, %mul3A_259 : i32
      %add3A_261 = arith.constant 7 : i32
      %add3A_262 = arith.addi %mul3A_260, %add3A_261 : i32
      %mul3A_263 = arith.constant 16 : i32
      %mul3A_264 = arith.muli %add3A_262, %mul3A_263 : i32
      %get3A_265 = arith.index_cast %mul3A_264 : i32 to index
      %get3A_266 = tpu.vector_load %arg10[%get3A_265] {strides = array<i32>} : memref<65536xf32, #tpu.memory_space<vmem>>, vector<16xf32>,
      %neg3A_267 = arith.constant 0.000000e+00 : f32
      %neg3A_268 = vector.broadcast %neg3A_267 : f32 to vector<16xf32>
      %neg3A_269 = arith.subf %neg3A_268, %get3A_266 : vector<16xf32>
      %exp3A_270 = math.exp %neg3A_269 : vector<16xf32>
      %add3A_271 = arith.constant 1.000000e+00 : f32
      %add3A_272 = vector.broadcast %add3A_271 : f32 to vector<16xf32>
      %add3A_273 = arith.addf %add3A_272, %exp3A_270 : vector<16xf32>
      %div3A_274 = arith.constant 1.000000e+00 : f32
      %div3A_275 = vector.broadcast %div3A_274 : f32 to vector<16xf32>
      %div3A_276 = arith.divf %div3A_275, %add3A_273 : vector<16xf32>
      %swap3A_277 = arith.index_cast %mul3A_264 : i32 to index
      %swap3A_278 = tpu.vector_load %arg10[%swap3A_277] {strides = array<i32>} : memref<65536xf32, #tpu.memory_space<vmem>>, vector<16xf32>,
      tpu.vector_store %arg10[%swap3A_277], %div3A_276 {strides = array<i32>} : memref<65536xf32, #tpu.memory_space<vmem>>, vector<16xf32>,
    }
    %scan3A_5 = arith.constant 512 : i32
    %get3A = arith.index_cast %add3A : i32 to index
    %get3A_6 = tpu.vector_load %arg20[%get3A] {strides = array<i32>} : memref<128xi32, #tpu.memory_space<vmem>>, vector<16xi32>,
    %slice3A = vector.extract_strided_slice %get3A_6 {offsets = [0], sizes = [1], strides = [1]} : vector<16xi32> to vector<1xi32>
    %squeeze3A = vector.extract %slice3A[0] : i32 from vector<1xi32>
    %add3A_7 = arith.constant 1 : i32
    %add3A_8 = arith.addi %add3A, %add3A_7 : i32
    %get3A_9 = arith.index_cast %add3A_8 : i32 to index
    %get3A_10 = tpu.vector_load %arg20[%get3A_9] {strides = array<i32>} : memref<128xi32, #tpu.memory_space<vmem>>, vector<16xi32>,
    %slice3A_11 = vector.extract_strided_slice %get3A_10 {offsets = [0], sizes = [1], strides = [1]} : vector<16xi32> to vector<1xi32>
    %squeeze3A_12 = vector.extract %slice3A_11[0] : i32 from vector<1xi32>
    %mul3A_13 = arith.constant 2048 : i32
    %mul3A_14 = arith.muli %add3A, %mul3A_13 : i32
    %multiple_of3A = tpu.assume_multiple %mul3A_14, 16 : i32
    %broadcast_in_dim3A = arith.constant 0.000000e+00 : f32
    %broadcast_in_dim3A_15 = vector.broadcast %broadcast_in_dim3A : f32 to vector<16xf32>
    %scan3A_16 = arith.constant 0 : i32
    %scan3A_17 = arith.constant 0 : i32
    %scan3A_18 = arith.constant 2049 : i32
    %scan3A_19 = arith.addi %scan3A_17, %scan3A_18 : i32
    %scan3A_20 = arith.constant 1 : i32
    scf.for %scan3A_120 = %scan3A_17 to %scan3A_19 step %scan3A_20  : i32 {
      %mul3A_121 = arith.constant 16 : i32
      %mul3A_122 = arith.muli %scan3A_120, %mul3A_121 : i32
      %swap3A_123 = arith.index_cast %mul3A_122 : i32 to index
      %swap3A_124 = tpu.vector_load %arg11[%swap3A_123] {strides = array<i32>} : memref<32784xf32, #tpu.memory_space<vmem>>, vector<16xf32>,
      tpu.vector_store %arg11[%swap3A_123], %broadcast_in_dim3A_15 {strides = array<i32>} : memref<32784xf32, #tpu.memory_space<vmem>>, vector<16xf32>,
    }
    %scan3A_21 = arith.constant 2049 : i32
    %and3A = arith.constant -16 : i32
    %and3A_22 = arith.andi %squeeze3A, %and3A : i32
    %sub3A = arith.subi %squeeze3A_12, %and3A_22 : i32
    %add3A_23 = arith.constant 2047 : i32
    %add3A_24 = arith.addi %sub3A, %add3A_23 : i32
    %jit3A = arith.constant 2048 : i32
    %div3A = arith.divsi %add3A_24, %jit3A : i32
    %sign3A = arith.constant 0 : i32
    %sign3A_25 = arith.cmpi sgt, %add3A_24, %sign3A : i32
    %sign3A_26 = arith.extui %sign3A_25 : i1 to i32
    %sign3A_27 = arith.constant 0 : i32
    %sign3A_28 = arith.cmpi slt, %add3A_24, %sign3A_27 : i32
    %sign3A_29 = arith.extui %sign3A_28 : i1 to i32
    %sign3A_30 = arith.subi %sign3A_26, %sign3A_29 : i32
    %sign3A_31 = arith.constant 0 : i32
    %sign3A_32 = arith.cmpi sgt, %jit3A, %sign3A_31 : i32
    %sign3A_33 = arith.extui %sign3A_32 : i1 to i32
    %sign3A_34 = arith.constant 0 : i32
    %sign3A_35 = arith.cmpi slt, %jit3A, %sign3A_34 : i32
    %sign3A_36 = arith.extui %sign3A_35 : i1 to i32
    %sign3A_37 = arith.subi %sign3A_33, %sign3A_36 : i32
    %ne3A = arith.cmpi ne, %sign3A_30, %sign3A_37 : i32
    %rem3A = arith.remsi %add3A_24, %jit3A : i32
    %ne3A_38 = arith.constant 0 : i32
    %ne3A_39 = arith.cmpi ne, %rem3A, %ne3A_38 : i32
    %and3A_40 = arith.andi %ne3A, %ne3A_39 : i1
    %sub3A_41 = arith.constant 1 : i32
    %sub3A_42 = arith.subi %div3A, %sub3A_41 : i32
    %select_n3A = arith.select %and3A_40, %sub3A_42, %div3A : i32
    %mul3A_43 = arith.constant 2049 : i32
    %mul3A_44 = vector.broadcast %mul3A_43 : i32 to vector<16xi32>
    %mul3A_45 = arith.muli %iota3A, %mul3A_44 : vector<16xi32>
    %gt3A = arith.constant 0 : i32
    %gt3A_46 = arith.cmpi sgt, %select_n3A, %gt3A : i32
    %convert_element_type3A = arith.extui %gt3A_46 : i1 to i32
    %cond3A = arith.constant 0 : i32
    %cond3A_47 = arith.cmpi ne, %convert_element_type3A, %cond3A : i32
    scf.if %cond3A_47 {
      %add3A_120 = arith.constant 0 : i32
      %add3A_121 = arith.addi %and3A_22, %add3A_120 : i32
      %min3A = arith.constant 4192256 : i32
      %min3A_122 = arith.minsi %add3A_121, %min3A : i32
      %multiple_of3A_123 = tpu.assume_multiple %min3A_122, 16 : i32
      %dma_start3A = tpu.memref_slice %arg3[%multiple_of3A_123] : memref<4194304xi32, #tpu.memory_space<hbm>> -> memref<2048xi32, #tpu.memory_space<hbm>>
      %dma_start3A_124 = tpu.memref_slice %arg3[%multiple_of3A_123] : memref<4194304xi32, #tpu.memory_space<hbm>> -> memref<2048xi32, #tpu.memory_space<hbm>>
      tpu.enqueue_dma source(%dma_start3A_124 : memref<2048xi32, #tpu.memory_space<hbm>>) target(%arg12 : memref<2048xi32, #tpu.memory_space<vmem>>) target_semaphore(%arg22 : memref<!tpu.dma_semaphore, #tpu.memory_space<semaphore_mem>>)
      %dma_start3A_125 = tpu.memref_slice %arg4[%multiple_of3A_123] : memref<4194304xi32, #tpu.memory_space<hbm>> -> memref<2048xi32, #tpu.memory_space<hbm>>
      %dma_start3A_126 = tpu.memref_slice %arg4[%multiple_of3A_123] : memref<4194304xi32, #tpu.memory_space<hbm>> -> memref<2048xi32, #tpu.memory_space<hbm>>
      tpu.enqueue_dma source(%dma_start3A_126 : memref<2048xi32, #tpu.memory_space<hbm>>) target(%arg14 : memref<2048xi32, #tpu.memory_space<vmem>>) target_semaphore(%arg22 : memref<!tpu.dma_semaphore, #tpu.memory_space<semaphore_mem>>)
      %dma_start3A_127 = tpu.memref_slice %arg5[%multiple_of3A_123] : memref<4194304xf32, #tpu.memory_space<hbm>> -> memref<2048xf32, #tpu.memory_space<hbm>>
      %dma_start3A_128 = tpu.memref_slice %arg5[%multiple_of3A_123] : memref<4194304xf32, #tpu.memory_space<hbm>> -> memref<2048xf32, #tpu.memory_space<hbm>>
      tpu.enqueue_dma source(%dma_start3A_128 : memref<2048xf32, #tpu.memory_space<hbm>>) target(%arg16 : memref<2048xf32, #tpu.memory_space<vmem>>) target_semaphore(%arg22 : memref<!tpu.dma_semaphore, #tpu.memory_space<semaphore_mem>>)
    } else {
    }
    %add3A_48 = arith.constant 1 : i32
    %add3A_49 = arith.addi %select_n3A, %add3A_48 : i32
    %jit3A_50 = arith.constant 2 : i32
    %div3A_51 = arith.divsi %add3A_49, %jit3A_50 : i32
    %sign3A_52 = arith.constant 0 : i32
    %sign3A_53 = arith.cmpi sgt, %add3A_49, %sign3A_52 : i32
    %sign3A_54 = arith.extui %sign3A_53 : i1 to i32
    %sign3A_55 = arith.constant 0 : i32
    %sign3A_56 = arith.cmpi slt, %add3A_49, %sign3A_55 : i32
    %sign3A_57 = arith.extui %sign3A_56 : i1 to i32
    %sign3A_58 = arith.subi %sign3A_54, %sign3A_57 : i32
    %sign3A_59 = arith.constant 0 : i32
    %sign3A_60 = arith.cmpi sgt, %jit3A_50, %sign3A_59 : i32
    %sign3A_61 = arith.extui %sign3A_60 : i1 to i32
    %sign3A_62 = arith.constant 0 : i32
    %sign3A_63 = arith.cmpi slt, %jit3A_50, %sign3A_62 : i32
    %sign3A_64 = arith.extui %sign3A_63 : i1 to i32
    %sign3A_65 = arith.subi %sign3A_61, %sign3A_64 : i32
    %ne3A_66 = arith.cmpi ne, %sign3A_58, %sign3A_65 : i32
    %rem3A_67 = arith.remsi %add3A_49, %jit3A_50 : i32
    %ne3A_68 = arith.constant 0 : i32
    %ne3A_69 = arith.cmpi ne, %rem3A_67, %ne3A_68 : i32
    %and3A_70 = arith.andi %ne3A_66, %ne3A_69 : i1
    %sub3A_71 = arith.constant 1 : i32
    %sub3A_72 = arith.subi %div3A_51, %sub3A_71 : i32
    %select_n3A_73 = arith.select %and3A_70, %sub3A_72, %div3A_51 : i32
    %while3A = arith.constant 0 : i32
    %while3A_74 = arith.constant 0 : i32
    %while3A_75 = arith.subi %select_n3A_73, %while3A_74 : i32
    %while3A_76 = arith.addi %while3A_74, %while3A_75 : i32
    %while3A_77 = arith.constant 1 : i32
    %while3A_78 = arith.divsi %while3A_75, %while3A_77 : i32
    %while3A_79 = arith.muli %while3A_78, %while3A_77 : i32
    %while3A_80 = arith.addi %while3A_74, %while3A_79 : i32
    %while3A_81 = arith.constant 1 : i32
    scf.for %while3A_120 = %while3A_74 to %while3A_80 step %while3A_81  : i32 {
      %mul3A_121 = arith.constant 2 : i32
      %mul3A_122 = arith.muli %mul3A_121, %while3A_120 : i32
      %add3A_123 = arith.constant 1 : i32
      %add3A_124 = arith.addi %mul3A_122, %add3A_123 : i32
      %dma_wait3A = arith.constant 0 : i32
      %dma_wait3A_125 = tpu.memref_slice %arg3[%dma_wait3A] : memref<4194304xi32, #tpu.memory_space<hbm>> -> memref<2048xi32, #tpu.memory_space<hbm>>
      %dma_wait3A_126 = arith.constant 0 : i32
      %dma_wait3A_127 = tpu.memref_slice %arg3[%dma_wait3A_126] : memref<4194304xi32, #tpu.memory_space<hbm>> -> memref<2048xi32, #tpu.memory_space<hbm>>
      tpu.wait_dma2 semaphore(%arg22 : memref<!tpu.dma_semaphore, #tpu.memory_space<semaphore_mem>>) src(%dma_wait3A_127 : memref<2048xi32, #tpu.memory_space<hbm>>) dst(%arg12 : memref<2048xi32, #tpu.memory_space<vmem>>)
      %dma_wait3A_128 = arith.constant 0 : i32
      %dma_wait3A_129 = tpu.memref_slice %arg4[%dma_wait3A_128] : memref<4194304xi32, #tpu.memory_space<hbm>> -> memref<2048xi32, #tpu.memory_space<hbm>>
      %dma_wait3A_130 = arith.constant 0 : i32
      %dma_wait3A_131 = tpu.memref_slice %arg4[%dma_wait3A_130] : memref<4194304xi32, #tpu.memory_space<hbm>> -> memref<2048xi32, #tpu.memory_space<hbm>>
      tpu.wait_dma2 semaphore(%arg22 : memref<!tpu.dma_semaphore, #tpu.memory_space<semaphore_mem>>) src(%dma_wait3A_131 : memref<2048xi32, #tpu.memory_space<hbm>>) dst(%arg14 : memref<2048xi32, #tpu.memory_space<vmem>>)
      %dma_wait3A_132 = arith.constant 0 : i32
      %dma_wait3A_133 = tpu.memref_slice %arg5[%dma_wait3A_132] : memref<4194304xf32, #tpu.memory_space<hbm>> -> memref<2048xf32, #tpu.memory_space<hbm>>
      %dma_wait3A_134 = arith.constant 0 : i32
      %dma_wait3A_135 = tpu.memref_slice %arg5[%dma_wait3A_134] : memref<4194304xf32, #tpu.memory_space<hbm>> -> memref<2048xf32, #tpu.memory_space<hbm>>
      tpu.wait_dma2 semaphore(%arg22 : memref<!tpu.dma_semaphore, #tpu.memory_space<semaphore_mem>>) src(%dma_wait3A_135 : memref<2048xf32, #tpu.memory_space<hbm>>) dst(%arg16 : memref<2048xf32, #tpu.memory_space<vmem>>)
      %lt3A = arith.cmpi slt, %add3A_124, %select_n3A : i32
      %convert_element_type3A_136 = arith.extui %lt3A : i1 to i32
      %cond3A_137 = arith.constant 0 : i32
      %cond3A_138 = arith.cmpi ne, %convert_element_type3A_136, %cond3A_137 : i32
      scf.if %cond3A_138 {
        %mul3A_165 = arith.constant 2048 : i32
        %mul3A_166 = arith.muli %add3A_124, %mul3A_165 : i32
        %add3A_167 = arith.addi %and3A_22, %mul3A_166 : i32
        %min3A_168 = arith.constant 4192256 : i32
        %min3A_169 = arith.minsi %add3A_167, %min3A_168 : i32
        %multiple_of3A_170 = tpu.assume_multiple %min3A_169, 16 : i32
        %dma_start3A = tpu.memref_slice %arg3[%multiple_of3A_170] : memref<4194304xi32, #tpu.memory_space<hbm>> -> memref<2048xi32, #tpu.memory_space<hbm>>
        %dma_start3A_171 = tpu.memref_slice %arg3[%multiple_of3A_170] : memref<4194304xi32, #tpu.memory_space<hbm>> -> memref<2048xi32, #tpu.memory_space<hbm>>
        tpu.enqueue_dma source(%dma_start3A_171 : memref<2048xi32, #tpu.memory_space<hbm>>) target(%arg13 : memref<2048xi32, #tpu.memory_space<vmem>>) target_semaphore(%arg22 : memref<!tpu.dma_semaphore, #tpu.memory_space<semaphore_mem>>)
        %dma_start3A_172 = tpu.memref_slice %arg4[%multiple_of3A_170] : memref<4194304xi32, #tpu.memory_space<hbm>> -> memref<2048xi32, #tpu.memory_space<hbm>>
        %dma_start3A_173 = tpu.memref_slice %arg4[%multiple_of3A_170] : memref<4194304xi32, #tpu.memory_space<hbm>> -> memref<2048xi32, #tpu.memory_space<hbm>>
        tpu.enqueue_dma source(%dma_start3A_173 : memref<2048xi32, #tpu.memory_space<hbm>>) target(%arg15 : memref<2048xi32, #tpu.memory_space<vmem>>) target_semaphore(%arg22 : memref<!tpu.dma_semaphore, #tpu.memory_space<semaphore_mem>>)
        %dma_start3A_174 = tpu.memref_slice %arg5[%multiple_of3A_170] : memref<4194304xf32, #tpu.memory_space<hbm>> -> memref<2048xf32, #tpu.memory_space<hbm>>
        %dma_start3A_175 = tpu.memref_slice %arg5[%multiple_of3A_170] : memref<4194304xf32, #tpu.memory_space<hbm>> -> memref<2048xf32, #tpu.memory_space<hbm>>
        tpu.enqueue_dma source(%dma_start3A_175 : memref<2048xf32, #tpu.memory_space<hbm>>) target(%arg17 : memref<2048xf32, #tpu.memory_space<vmem>>) target_semaphore(%arg22 : memref<!tpu.dma_semaphore, #tpu.memory_space<semaphore_mem>>)
      } else {
      }
      %mul3A_139 = arith.constant 2048 : i32
      %mul3A_140 = arith.muli %mul3A_122, %mul3A_139 : i32
      %add3A_141 = arith.addi %and3A_22, %mul3A_140 : i32
      %min3A = arith.constant 4192256 : i32
      %min3A_142 = arith.minsi %add3A_141, %min3A : i32
      %multiple_of3A_143 = tpu.assume_multiple %min3A_142, 16 : i32
      %mul3A_144 = arith.constant 2048 : i32
      %mul3A_145 = arith.muli %mul3A_122, %mul3A_144 : i32
      %add3A_146 = arith.addi %and3A_22, %mul3A_145 : i32
      %max3A = arith.maxsi %squeeze3A, %add3A_146 : i32
      %add3A_147 = arith.constant 2048 : i32
      %add3A_148 = arith.addi %add3A_146, %add3A_147 : i32
      %min3A_149 = arith.minsi %squeeze3A_12, %add3A_148 : i32
      %eq3A = arith.cmpi eq, %max3A, %multiple_of3A_143 : i32
      %add3A_150 = arith.constant 2048 : i32
      %add3A_151 = arith.addi %multiple_of3A_143, %add3A_150 : i32
      %eq3A_152 = arith.cmpi eq, %min3A_149, %add3A_151 : i32
      %and3A_153 = arith.andi %eq3A, %eq3A_152 : i1
      %convert_element_type3A_154 = arith.extui %and3A_153 : i1 to i32
      %cond3A_155 = arith.constant 0 : i32
      %cond3A_156 = arith.cmpi ne, %convert_element_type3A_154, %cond3A_155 : i32
      scf.if %cond3A_156 {
        %scan3A_165 = arith.constant 0 : i32
        %scan3A_166 = arith.constant 0 : i32
        %scan3A_167 = arith.constant 16 : i32
        %scan3A_168 = arith.addi %scan3A_166, %scan3A_167 : i32
        %scan3A_169 = arith.constant 1 : i32
        scf.for %scan3A_171 = %scan3A_166 to %scan3A_168 step %scan3A_169  : i32 {
          %mul3A_172 = arith.constant 8 : i32
          %mul3A_173 = arith.muli %scan3A_171, %mul3A_172 : i32
          %add3A_174 = arith.constant 0 : i32
          %add3A_175 = arith.addi %mul3A_173, %add3A_174 : i32
          %mul3A_176 = arith.constant 16 : i32
          %mul3A_177 = arith.muli %add3A_175, %mul3A_176 : i32
          %get3A_178 = arith.index_cast %mul3A_177 : i32 to index
          %get3A_179 = tpu.vector_load %arg12[%get3A_178] {strides = array<i32>} : memref<2048xi32, #tpu.memory_space<vmem>>, vector<16xi32>,
          %get3A_180 = arith.index_cast %mul3A_177 : i32 to index
          %get3A_181 = tpu.vector_load %arg14[%get3A_180] {strides = array<i32>} : memref<2048xi32, #tpu.memory_space<vmem>>, vector<16xi32>,
          %get3A_182 = arith.index_cast %mul3A_177 : i32 to index
          %get3A_183 = tpu.vector_load %arg16[%get3A_182] {strides = array<i32>} : memref<2048xf32, #tpu.memory_space<vmem>>, vector<16xf32>,
          %gather3A = tpu.vector_load_idx %arg10[%get3A_181] : memref<65536xf32, #tpu.memory_space<vmem>>[vector<16xi32>], vector<16xf32>,
          %sub3A_184 = vector.broadcast %multiple_of3A : i32 to vector<16xi32>
          %sub3A_185 = arith.subi %get3A_179, %sub3A_184 : vector<16xi32>
          %add3A_186 = arith.addi %mul3A_45, %sub3A_185 : vector<16xi32>
          %mul3A_187 = arith.mulf %get3A_183, %gather3A : vector<16xf32>
          tpu.vector_store_idx %arg11[%add3A_186], %mul3A_187 {add = true} : memref<32784xf32, #tpu.memory_space<vmem>>[vector<16xi32>], vector<16xf32>,
          %mul3A_188 = arith.constant 8 : i32
          %mul3A_189 = arith.muli %scan3A_171, %mul3A_188 : i32
          %add3A_190 = arith.constant 1 : i32
          %add3A_191 = arith.addi %mul3A_189, %add3A_190 : i32
          %mul3A_192 = arith.constant 16 : i32
          %mul3A_193 = arith.muli %add3A_191, %mul3A_192 : i32
          %get3A_194 = arith.index_cast %mul3A_193 : i32 to index
          %get3A_195 = tpu.vector_load %arg12[%get3A_194] {strides = array<i32>} : memref<2048xi32, #tpu.memory_space<vmem>>, vector<16xi32>,
          %get3A_196 = arith.index_cast %mul3A_193 : i32 to index
          %get3A_197 = tpu.vector_load %arg14[%get3A_196] {strides = array<i32>} : memref<2048xi32, #tpu.memory_space<vmem>>, vector<16xi32>,
          %get3A_198 = arith.index_cast %mul3A_193 : i32 to index
          %get3A_199 = tpu.vector_load %arg16[%get3A_198] {strides = array<i32>} : memref<2048xf32, #tpu.memory_space<vmem>>, vector<16xf32>,
          %gather3A_200 = tpu.vector_load_idx %arg10[%get3A_197] : memref<65536xf32, #tpu.memory_space<vmem>>[vector<16xi32>], vector<16xf32>,
          %sub3A_201 = vector.broadcast %multiple_of3A : i32 to vector<16xi32>
          %sub3A_202 = arith.subi %get3A_195, %sub3A_201 : vector<16xi32>
          %add3A_203 = arith.addi %mul3A_45, %sub3A_202 : vector<16xi32>
          %mul3A_204 = arith.mulf %get3A_199, %gather3A_200 : vector<16xf32>
          tpu.vector_store_idx %arg11[%add3A_203], %mul3A_204 {add = true} : memref<32784xf32, #tpu.memory_space<vmem>>[vector<16xi32>], vector<16xf32>,
          %mul3A_205 = arith.constant 8 : i32
          %mul3A_206 = arith.muli %scan3A_171, %mul3A_205 : i32
          %add3A_207 = arith.constant 2 : i32
          %add3A_208 = arith.addi %mul3A_206, %add3A_207 : i32
          %mul3A_209 = arith.constant 16 : i32
          %mul3A_210 = arith.muli %add3A_208, %mul3A_209 : i32
          %get3A_211 = arith.index_cast %mul3A_210 : i32 to index
          %get3A_212 = tpu.vector_load %arg12[%get3A_211] {strides = array<i32>} : memref<2048xi32, #tpu.memory_space<vmem>>, vector<16xi32>,
          %get3A_213 = arith.index_cast %mul3A_210 : i32 to index
          %get3A_214 = tpu.vector_load %arg14[%get3A_213] {strides = array<i32>} : memref<2048xi32, #tpu.memory_space<vmem>>, vector<16xi32>,
          %get3A_215 = arith.index_cast %mul3A_210 : i32 to index
          %get3A_216 = tpu.vector_load %arg16[%get3A_215] {strides = array<i32>} : memref<2048xf32, #tpu.memory_space<vmem>>, vector<16xf32>,
          %gather3A_217 = tpu.vector_load_idx %arg10[%get3A_214] : memref<65536xf32, #tpu.memory_space<vmem>>[vector<16xi32>], vector<16xf32>,
          %sub3A_218 = vector.broadcast %multiple_of3A : i32 to vector<16xi32>
          %sub3A_219 = arith.subi %get3A_212, %sub3A_218 : vector<16xi32>
          %add3A_220 = arith.addi %mul3A_45, %sub3A_219 : vector<16xi32>
          %mul3A_221 = arith.mulf %get3A_216, %gather3A_217 : vector<16xf32>
          tpu.vector_store_idx %arg11[%add3A_220], %mul3A_221 {add = true} : memref<32784xf32, #tpu.memory_space<vmem>>[vector<16xi32>], vector<16xf32>,
          %mul3A_222 = arith.constant 8 : i32
          %mul3A_223 = arith.muli %scan3A_171, %mul3A_222 : i32
          %add3A_224 = arith.constant 3 : i32
          %add3A_225 = arith.addi %mul3A_223, %add3A_224 : i32
          %mul3A_226 = arith.constant 16 : i32
          %mul3A_227 = arith.muli %add3A_225, %mul3A_226 : i32
          %get3A_228 = arith.index_cast %mul3A_227 : i32 to index
          %get3A_229 = tpu.vector_load %arg12[%get3A_228] {strides = array<i32>} : memref<2048xi32, #tpu.memory_space<vmem>>, vector<16xi32>,
          %get3A_230 = arith.index_cast %mul3A_227 : i32 to index
          %get3A_231 = tpu.vector_load %arg14[%get3A_230] {strides = array<i32>} : memref<2048xi32, #tpu.memory_space<vmem>>, vector<16xi32>,
          %get3A_232 = arith.index_cast %mul3A_227 : i32 to index
          %get3A_233 = tpu.vector_load %arg16[%get3A_232] {strides = array<i32>} : memref<2048xf32, #tpu.memory_space<vmem>>, vector<16xf32>,
          %gather3A_234 = tpu.vector_load_idx %arg10[%get3A_231] : memref<65536xf32, #tpu.memory_space<vmem>>[vector<16xi32>], vector<16xf32>,
          %sub3A_235 = vector.broadcast %multiple_of3A : i32 to vector<16xi32>
          %sub3A_236 = arith.subi %get3A_229, %sub3A_235 : vector<16xi32>
          %add3A_237 = arith.addi %mul3A_45, %sub3A_236 : vector<16xi32>
          %mul3A_238 = arith.mulf %get3A_233, %gather3A_234 : vector<16xf32>
          tpu.vector_store_idx %arg11[%add3A_237], %mul3A_238 {add = true} : memref<32784xf32, #tpu.memory_space<vmem>>[vector<16xi32>], vector<16xf32>,
          %mul3A_239 = arith.constant 8 : i32
          %mul3A_240 = arith.muli %scan3A_171, %mul3A_239 : i32
          %add3A_241 = arith.constant 4 : i32
          %add3A_242 = arith.addi %mul3A_240, %add3A_241 : i32
          %mul3A_243 = arith.constant 16 : i32
          %mul3A_244 = arith.muli %add3A_242, %mul3A_243 : i32
          %get3A_245 = arith.index_cast %mul3A_244 : i32 to index
          %get3A_246 = tpu.vector_load %arg12[%get3A_245] {strides = array<i32>} : memref<2048xi32, #tpu.memory_space<vmem>>, vector<16xi32>,
          %get3A_247 = arith.index_cast %mul3A_244 : i32 to index
          %get3A_248 = tpu.vector_load %arg14[%get3A_247] {strides = array<i32>} : memref<2048xi32, #tpu.memory_space<vmem>>, vector<16xi32>,
          %get3A_249 = arith.index_cast %mul3A_244 : i32 to index
          %get3A_250 = tpu.vector_load %arg16[%get3A_249] {strides = array<i32>} : memref<2048xf32, #tpu.memory_space<vmem>>, vector<16xf32>,
          %gather3A_251 = tpu.vector_load_idx %arg10[%get3A_248] : memref<65536xf32, #tpu.memory_space<vmem>>[vector<16xi32>], vector<16xf32>,
          %sub3A_252 = vector.broadcast %multiple_of3A : i32 to vector<16xi32>
          %sub3A_253 = arith.subi %get3A_246, %sub3A_252 : vector<16xi32>
          %add3A_254 = arith.addi %mul3A_45, %sub3A_253 : vector<16xi32>
          %mul3A_255 = arith.mulf %get3A_250, %gather3A_251 : vector<16xf32>
          tpu.vector_store_idx %arg11[%add3A_254], %mul3A_255 {add = true} : memref<32784xf32, #tpu.memory_space<vmem>>[vector<16xi32>], vector<16xf32>,
          %mul3A_256 = arith.constant 8 : i32
          %mul3A_257 = arith.muli %scan3A_171, %mul3A_256 : i32
          %add3A_258 = arith.constant 5 : i32
          %add3A_259 = arith.addi %mul3A_257, %add3A_258 : i32
          %mul3A_260 = arith.constant 16 : i32
          %mul3A_261 = arith.muli %add3A_259, %mul3A_260 : i32
          %get3A_262 = arith.index_cast %mul3A_261 : i32 to index
          %get3A_263 = tpu.vector_load %arg12[%get3A_262] {strides = array<i32>} : memref<2048xi32, #tpu.memory_space<vmem>>, vector<16xi32>,
          %get3A_264 = arith.index_cast %mul3A_261 : i32 to index
          %get3A_265 = tpu.vector_load %arg14[%get3A_264] {strides = array<i32>} : memref<2048xi32, #tpu.memory_space<vmem>>, vector<16xi32>,
          %get3A_266 = arith.index_cast %mul3A_261 : i32 to index
          %get3A_267 = tpu.vector_load %arg16[%get3A_266] {strides = array<i32>} : memref<2048xf32, #tpu.memory_space<vmem>>, vector<16xf32>,
          %gather3A_268 = tpu.vector_load_idx %arg10[%get3A_265] : memref<65536xf32, #tpu.memory_space<vmem>>[vector<16xi32>], vector<16xf32>,
          %sub3A_269 = vector.broadcast %multiple_of3A : i32 to vector<16xi32>
          %sub3A_270 = arith.subi %get3A_263, %sub3A_269 : vector<16xi32>
          %add3A_271 = arith.addi %mul3A_45, %sub3A_270 : vector<16xi32>
          %mul3A_272 = arith.mulf %get3A_267, %gather3A_268 : vector<16xf32>
          tpu.vector_store_idx %arg11[%add3A_271], %mul3A_272 {add = true} : memref<32784xf32, #tpu.memory_space<vmem>>[vector<16xi32>], vector<16xf32>,
          %mul3A_273 = arith.constant 8 : i32
          %mul3A_274 = arith.muli %scan3A_171, %mul3A_273 : i32
          %add3A_275 = arith.constant 6 : i32
          %add3A_276 = arith.addi %mul3A_274, %add3A_275 : i32
          %mul3A_277 = arith.constant 16 : i32
          %mul3A_278 = arith.muli %add3A_276, %mul3A_277 : i32
          %get3A_279 = arith.index_cast %mul3A_278 : i32 to index
          %get3A_280 = tpu.vector_load %arg12[%get3A_279] {strides = array<i32>} : memref<2048xi32, #tpu.memory_space<vmem>>, vector<16xi32>,
          %get3A_281 = arith.index_cast %mul3A_278 : i32 to index
          %get3A_282 = tpu.vector_load %arg14[%get3A_281] {strides = array<i32>} : memref<2048xi32, #tpu.memory_space<vmem>>, vector<16xi32>,
          %get3A_283 = arith.index_cast %mul3A_278 : i32 to index
          %get3A_284 = tpu.vector_load %arg16[%get3A_283] {strides = array<i32>} : memref<2048xf32, #tpu.memory_space<vmem>>, vector<16xf32>,
          %gather3A_285 = tpu.vector_load_idx %arg10[%get3A_282] : memref<65536xf32, #tpu.memory_space<vmem>>[vector<16xi32>], vector<16xf32>,
          %sub3A_286 = vector.broadcast %multiple_of3A : i32 to vector<16xi32>
          %sub3A_287 = arith.subi %get3A_280, %sub3A_286 : vector<16xi32>
          %add3A_288 = arith.addi %mul3A_45, %sub3A_287 : vector<16xi32>
          %mul3A_289 = arith.mulf %get3A_284, %gather3A_285 : vector<16xf32>
          tpu.vector_store_idx %arg11[%add3A_288], %mul3A_289 {add = true} : memref<32784xf32, #tpu.memory_space<vmem>>[vector<16xi32>], vector<16xf32>,
          %mul3A_290 = arith.constant 8 : i32
          %mul3A_291 = arith.muli %scan3A_171, %mul3A_290 : i32
          %add3A_292 = arith.constant 7 : i32
          %add3A_293 = arith.addi %mul3A_291, %add3A_292 : i32
          %mul3A_294 = arith.constant 16 : i32
          %mul3A_295 = arith.muli %add3A_293, %mul3A_294 : i32
          %get3A_296 = arith.index_cast %mul3A_295 : i32 to index
          %get3A_297 = tpu.vector_load %arg12[%get3A_296] {strides = array<i32>} : memref<2048xi32, #tpu.memory_space<vmem>>, vector<16xi32>,
          %get3A_298 = arith.index_cast %mul3A_295 : i32 to index
          %get3A_299 = tpu.vector_load %arg14[%get3A_298] {strides = array<i32>} : memref<2048xi32, #tpu.memory_space<vmem>>, vector<16xi32>,
          %get3A_300 = arith.index_cast %mul3A_295 : i32 to index
          %get3A_301 = tpu.vector_load %arg16[%get3A_300] {strides = array<i32>} : memref<2048xf32, #tpu.memory_space<vmem>>, vector<16xf32>,
          %gather3A_302 = tpu.vector_load_idx %arg10[%get3A_299] : memref<65536xf32, #tpu.memory_space<vmem>>[vector<16xi32>], vector<16xf32>,
          %sub3A_303 = vector.broadcast %multiple_of3A : i32 to vector<16xi32>
          %sub3A_304 = arith.subi %get3A_297, %sub3A_303 : vector<16xi32>
          %add3A_305 = arith.addi %mul3A_45, %sub3A_304 : vector<16xi32>
          %mul3A_306 = arith.mulf %get3A_301, %gather3A_302 : vector<16xf32>
          tpu.vector_store_idx %arg11[%add3A_305], %mul3A_306 {add = true} : memref<32784xf32, #tpu.memory_space<vmem>>[vector<16xi32>], vector<16xf32>,
        }
        %scan3A_170 = arith.constant 16 : i32
      } else {
      }
      %not3A = arith.constant true
      %not3A_157 = arith.xori %and3A_153, %not3A : i1
      %convert_element_type3A_158 = arith.extui %not3A_157 : i1 to i32
      %cond3A_159 = arith.constant 0 : i32
      %cond3A_160 = arith.cmpi ne, %convert_element_type3A_158, %cond3A_159 : i32
      scf.if %cond3A_160 {
        %scan3A_165 = arith.constant 0 : i32
        %scan3A_166 = arith.constant 0 : i32
        %scan3A_167 = arith.constant 128 : i32
        %scan3A_168 = arith.addi %scan3A_166, %scan3A_167 : i32
        %scan3A_169 = arith.constant 1 : i32
        scf.for %scan3A_171 = %scan3A_166 to %scan3A_168 step %scan3A_169  : i32 {
          %mul3A_172 = arith.constant 16 : i32
          %mul3A_173 = arith.muli %scan3A_171, %mul3A_172 : i32
          %get3A_174 = arith.index_cast %mul3A_173 : i32 to index
          %get3A_175 = tpu.vector_load %arg12[%get3A_174] {strides = array<i32>} : memref<2048xi32, #tpu.memory_space<vmem>>, vector<16xi32>,
          %mul3A_176 = arith.constant 16 : i32
          %mul3A_177 = arith.muli %scan3A_171, %mul3A_176 : i32
          %get3A_178 = arith.index_cast %mul3A_177 : i32 to index
          %get3A_179 = tpu.vector_load %arg14[%get3A_178] {strides = array<i32>} : memref<2048xi32, #tpu.memory_space<vmem>>, vector<16xi32>,
          %mul3A_180 = arith.constant 16 : i32
          %mul3A_181 = arith.muli %scan3A_171, %mul3A_180 : i32
          %get3A_182 = arith.index_cast %mul3A_181 : i32 to index
          %get3A_183 = tpu.vector_load %arg16[%get3A_182] {strides = array<i32>} : memref<2048xf32, #tpu.memory_space<vmem>>, vector<16xf32>,
          %mul3A_184 = arith.constant 16 : i32
          %mul3A_185 = arith.muli %scan3A_171, %mul3A_184 : i32
          %add3A_186 = arith.addi %multiple_of3A_143, %mul3A_185 : i32
          %add3A_187 = vector.broadcast %add3A_186 : i32 to vector<16xi32>
          %add3A_188 = arith.addi %add3A_187, %iota3A : vector<16xi32>
          %ge3A = vector.broadcast %max3A : i32 to vector<16xi32>
          %ge3A_189 = arith.cmpi sge, %add3A_188, %ge3A : vector<16xi32>
          %lt3A_190 = vector.broadcast %min3A_149 : i32 to vector<16xi32>
          %lt3A_191 = arith.cmpi slt, %add3A_188, %lt3A_190 : vector<16xi32>
          %and3A_192 = arith.andi %ge3A_189, %lt3A_191 : vector<16xi1>
          %gather3A = tpu.vector_load_idx %arg10[%get3A_179] masked %and3A_192 : memref<65536xf32, #tpu.memory_space<vmem>>[vector<16xi32>], vector<16xf32>, vector<16xi1>
          %sub3A_193 = vector.broadcast %multiple_of3A : i32 to vector<16xi32>
          %sub3A_194 = arith.subi %get3A_175, %sub3A_193 : vector<16xi32>
          %add3A_195 = arith.addi %mul3A_45, %sub3A_194 : vector<16xi32>
          %jit3A_196 = arith.constant 0 : i32
          %broadcast_in_dim3A_197 = vector.broadcast %jit3A_196 : i32 to vector<16xi32>
          %select_n3A_198 = arith.select %and3A_192, %add3A_195, %broadcast_in_dim3A_197 : vector<16xi1>, vector<16xi32>
          %mul3A_199 = arith.mulf %get3A_183, %gather3A : vector<16xf32>
          tpu.vector_store_idx %arg11[%select_n3A_198], %mul3A_199 masked %and3A_192 {add = true} : memref<32784xf32, #tpu.memory_space<vmem>>[vector<16xi32>], vector<16xf32>, vector<16xi1>
        }
        %scan3A_170 = arith.constant 128 : i32
      } else {
      }
      %lt3A_161 = arith.cmpi slt, %add3A_124, %select_n3A : i32
      %convert_element_type3A_162 = arith.extui %lt3A_161 : i1 to i32
      %cond3A_163 = arith.constant 0 : i32
      %cond3A_164 = arith.cmpi ne, %convert_element_type3A_162, %cond3A_163 : i32
      scf.if %cond3A_164 {
        %dma_wait3A_165 = arith.constant 0 : i32
        %dma_wait3A_166 = tpu.memref_slice %arg3[%dma_wait3A_165] : memref<4194304xi32, #tpu.memory_space<hbm>> -> memref<2048xi32, #tpu.memory_space<hbm>>
        %dma_wait3A_167 = arith.constant 0 : i32
        %dma_wait3A_168 = tpu.memref_slice %arg3[%dma_wait3A_167] : memref<4194304xi32, #tpu.memory_space<hbm>> -> memref<2048xi32, #tpu.memory_space<hbm>>
        tpu.wait_dma2 semaphore(%arg22 : memref<!tpu.dma_semaphore, #tpu.memory_space<semaphore_mem>>) src(%dma_wait3A_168 : memref<2048xi32, #tpu.memory_space<hbm>>) dst(%arg13 : memref<2048xi32, #tpu.memory_space<vmem>>)
        %dma_wait3A_169 = arith.constant 0 : i32
        %dma_wait3A_170 = tpu.memref_slice %arg4[%dma_wait3A_169] : memref<4194304xi32, #tpu.memory_space<hbm>> -> memref<2048xi32, #tpu.memory_space<hbm>>
        %dma_wait3A_171 = arith.constant 0 : i32
        %dma_wait3A_172 = tpu.memref_slice %arg4[%dma_wait3A_171] : memref<4194304xi32, #tpu.memory_space<hbm>> -> memref<2048xi32, #tpu.memory_space<hbm>>
        tpu.wait_dma2 semaphore(%arg22 : memref<!tpu.dma_semaphore, #tpu.memory_space<semaphore_mem>>) src(%dma_wait3A_172 : memref<2048xi32, #tpu.memory_space<hbm>>) dst(%arg15 : memref<2048xi32, #tpu.memory_space<vmem>>)
        %dma_wait3A_173 = arith.constant 0 : i32
        %dma_wait3A_174 = tpu.memref_slice %arg5[%dma_wait3A_173] : memref<4194304xf32, #tpu.memory_space<hbm>> -> memref<2048xf32, #tpu.memory_space<hbm>>
        %dma_wait3A_175 = arith.constant 0 : i32
        %dma_wait3A_176 = tpu.memref_slice %arg5[%dma_wait3A_175] : memref<4194304xf32, #tpu.memory_space<hbm>> -> memref<2048xf32, #tpu.memory_space<hbm>>
        tpu.wait_dma2 semaphore(%arg22 : memref<!tpu.dma_semaphore, #tpu.memory_space<semaphore_mem>>) src(%dma_wait3A_176 : memref<2048xf32, #tpu.memory_space<hbm>>) dst(%arg17 : memref<2048xf32, #tpu.memory_space<vmem>>)
        %add3A_177 = arith.constant 1 : i32
        %add3A_178 = arith.addi %add3A_124, %add3A_177 : i32
        %lt3A_179 = arith.cmpi slt, %add3A_178, %select_n3A : i32
        %convert_element_type3A_180 = arith.extui %lt3A_179 : i1 to i32
        %cond3A_181 = arith.constant 0 : i32
        %cond3A_182 = arith.cmpi ne, %convert_element_type3A_180, %cond3A_181 : i32
        scf.if %cond3A_182 {
          %add3A_209 = arith.constant 1 : i32
          %add3A_210 = arith.addi %add3A_124, %add3A_209 : i32
          %mul3A_211 = arith.constant 2048 : i32
          %mul3A_212 = arith.muli %add3A_210, %mul3A_211 : i32
          %add3A_213 = arith.addi %and3A_22, %mul3A_212 : i32
          %min3A_214 = arith.constant 4192256 : i32
          %min3A_215 = arith.minsi %add3A_213, %min3A_214 : i32
          %multiple_of3A_216 = tpu.assume_multiple %min3A_215, 16 : i32
          %dma_start3A = tpu.memref_slice %arg3[%multiple_of3A_216] : memref<4194304xi32, #tpu.memory_space<hbm>> -> memref<2048xi32, #tpu.memory_space<hbm>>
          %dma_start3A_217 = tpu.memref_slice %arg3[%multiple_of3A_216] : memref<4194304xi32, #tpu.memory_space<hbm>> -> memref<2048xi32, #tpu.memory_space<hbm>>
          tpu.enqueue_dma source(%dma_start3A_217 : memref<2048xi32, #tpu.memory_space<hbm>>) target(%arg12 : memref<2048xi32, #tpu.memory_space<vmem>>) target_semaphore(%arg22 : memref<!tpu.dma_semaphore, #tpu.memory_space<semaphore_mem>>)
          %dma_start3A_218 = tpu.memref_slice %arg4[%multiple_of3A_216] : memref<4194304xi32, #tpu.memory_space<hbm>> -> memref<2048xi32, #tpu.memory_space<hbm>>
          %dma_start3A_219 = tpu.memref_slice %arg4[%multiple_of3A_216] : memref<4194304xi32, #tpu.memory_space<hbm>> -> memref<2048xi32, #tpu.memory_space<hbm>>
          tpu.enqueue_dma source(%dma_start3A_219 : memref<2048xi32, #tpu.memory_space<hbm>>) target(%arg14 : memref<2048xi32, #tpu.memory_space<vmem>>) target_semaphore(%arg22 : memref<!tpu.dma_semaphore, #tpu.memory_space<semaphore_mem>>)
          %dma_start3A_220 = tpu.memref_slice %arg5[%multiple_of3A_216] : memref<4194304xf32, #tpu.memory_space<hbm>> -> memref<2048xf32, #tpu.memory_space<hbm>>
          %dma_start3A_221 = tpu.memref_slice %arg5[%multiple_of3A_216] : memref<4194304xf32, #tpu.memory_space<hbm>> -> memref<2048xf32, #tpu.memory_space<hbm>>
          tpu.enqueue_dma source(%dma_start3A_221 : memref<2048xf32, #tpu.memory_space<hbm>>) target(%arg16 : memref<2048xf32, #tpu.memory_space<vmem>>) target_semaphore(%arg22 : memref<!tpu.dma_semaphore, #tpu.memory_space<semaphore_mem>>)
        } else {
        }
        %mul3A_183 = arith.constant 2048 : i32
        %mul3A_184 = arith.muli %add3A_124, %mul3A_183 : i32
        %add3A_185 = arith.addi %and3A_22, %mul3A_184 : i32
        %min3A_186 = arith.constant 4192256 : i32
        %min3A_187 = arith.minsi %add3A_185, %min3A_186 : i32
        %multiple_of3A_188 = tpu.assume_multiple %min3A_187, 16 : i32
        %mul3A_189 = arith.constant 2048 : i32
        %mul3A_190 = arith.muli %add3A_124, %mul3A_189 : i32
        %add3A_191 = arith.addi %and3A_22, %mul3A_190 : i32
        %max3A_192 = arith.maxsi %squeeze3A, %add3A_191 : i32
        %add3A_193 = arith.constant 2048 : i32
        %add3A_194 = arith.addi %add3A_191, %add3A_193 : i32
        %min3A_195 = arith.minsi %squeeze3A_12, %add3A_194 : i32
        %eq3A_196 = arith.cmpi eq, %max3A_192, %multiple_of3A_188 : i32
        %add3A_197 = arith.constant 2048 : i32
        %add3A_198 = arith.addi %multiple_of3A_188, %add3A_197 : i32
        %eq3A_199 = arith.cmpi eq, %min3A_195, %add3A_198 : i32
        %and3A_200 = arith.andi %eq3A_196, %eq3A_199 : i1
        %convert_element_type3A_201 = arith.extui %and3A_200 : i1 to i32
        %cond3A_202 = arith.constant 0 : i32
        %cond3A_203 = arith.cmpi ne, %convert_element_type3A_201, %cond3A_202 : i32
        scf.if %cond3A_203 {
          %scan3A_209 = arith.constant 0 : i32
          %scan3A_210 = arith.constant 0 : i32
          %scan3A_211 = arith.constant 16 : i32
          %scan3A_212 = arith.addi %scan3A_210, %scan3A_211 : i32
          %scan3A_213 = arith.constant 1 : i32
          scf.for %scan3A_215 = %scan3A_210 to %scan3A_212 step %scan3A_213  : i32 {
            %mul3A_216 = arith.constant 8 : i32
            %mul3A_217 = arith.muli %scan3A_215, %mul3A_216 : i32
            %add3A_218 = arith.constant 0 : i32
            %add3A_219 = arith.addi %mul3A_217, %add3A_218 : i32
            %mul3A_220 = arith.constant 16 : i32
            %mul3A_221 = arith.muli %add3A_219, %mul3A_220 : i32
            %get3A_222 = arith.index_cast %mul3A_221 : i32 to index
            %get3A_223 = tpu.vector_load %arg13[%get3A_222] {strides = array<i32>} : memref<2048xi32, #tpu.memory_space<vmem>>, vector<16xi32>,
            %get3A_224 = arith.index_cast %mul3A_221 : i32 to index
            %get3A_225 = tpu.vector_load %arg15[%get3A_224] {strides = array<i32>} : memref<2048xi32, #tpu.memory_space<vmem>>, vector<16xi32>,
            %get3A_226 = arith.index_cast %mul3A_221 : i32 to index
            %get3A_227 = tpu.vector_load %arg17[%get3A_226] {strides = array<i32>} : memref<2048xf32, #tpu.memory_space<vmem>>, vector<16xf32>,
            %gather3A = tpu.vector_load_idx %arg10[%get3A_225] : memref<65536xf32, #tpu.memory_space<vmem>>[vector<16xi32>], vector<16xf32>,
            %sub3A_228 = vector.broadcast %multiple_of3A : i32 to vector<16xi32>
            %sub3A_229 = arith.subi %get3A_223, %sub3A_228 : vector<16xi32>
            %add3A_230 = arith.addi %mul3A_45, %sub3A_229 : vector<16xi32>
            %mul3A_231 = arith.mulf %get3A_227, %gather3A : vector<16xf32>
            tpu.vector_store_idx %arg11[%add3A_230], %mul3A_231 {add = true} : memref<32784xf32, #tpu.memory_space<vmem>>[vector<16xi32>], vector<16xf32>,
            %mul3A_232 = arith.constant 8 : i32
            %mul3A_233 = arith.muli %scan3A_215, %mul3A_232 : i32
            %add3A_234 = arith.constant 1 : i32
            %add3A_235 = arith.addi %mul3A_233, %add3A_234 : i32
            %mul3A_236 = arith.constant 16 : i32
            %mul3A_237 = arith.muli %add3A_235, %mul3A_236 : i32
            %get3A_238 = arith.index_cast %mul3A_237 : i32 to index
            %get3A_239 = tpu.vector_load %arg13[%get3A_238] {strides = array<i32>} : memref<2048xi32, #tpu.memory_space<vmem>>, vector<16xi32>,
            %get3A_240 = arith.index_cast %mul3A_237 : i32 to index
            %get3A_241 = tpu.vector_load %arg15[%get3A_240] {strides = array<i32>} : memref<2048xi32, #tpu.memory_space<vmem>>, vector<16xi32>,
            %get3A_242 = arith.index_cast %mul3A_237 : i32 to index
            %get3A_243 = tpu.vector_load %arg17[%get3A_242] {strides = array<i32>} : memref<2048xf32, #tpu.memory_space<vmem>>, vector<16xf32>,
            %gather3A_244 = tpu.vector_load_idx %arg10[%get3A_241] : memref<65536xf32, #tpu.memory_space<vmem>>[vector<16xi32>], vector<16xf32>,
            %sub3A_245 = vector.broadcast %multiple_of3A : i32 to vector<16xi32>
            %sub3A_246 = arith.subi %get3A_239, %sub3A_245 : vector<16xi32>
            %add3A_247 = arith.addi %mul3A_45, %sub3A_246 : vector<16xi32>
            %mul3A_248 = arith.mulf %get3A_243, %gather3A_244 : vector<16xf32>
            tpu.vector_store_idx %arg11[%add3A_247], %mul3A_248 {add = true} : memref<32784xf32, #tpu.memory_space<vmem>>[vector<16xi32>], vector<16xf32>,
            %mul3A_249 = arith.constant 8 : i32
            %mul3A_250 = arith.muli %scan3A_215, %mul3A_249 : i32
            %add3A_251 = arith.constant 2 : i32
            %add3A_252 = arith.addi %mul3A_250, %add3A_251 : i32
            %mul3A_253 = arith.constant 16 : i32
            %mul3A_254 = arith.muli %add3A_252, %mul3A_253 : i32
            %get3A_255 = arith.index_cast %mul3A_254 : i32 to index
            %get3A_256 = tpu.vector_load %arg13[%get3A_255] {strides = array<i32>} : memref<2048xi32, #tpu.memory_space<vmem>>, vector<16xi32>,
            %get3A_257 = arith.index_cast %mul3A_254 : i32 to index
            %get3A_258 = tpu.vector_load %arg15[%get3A_257] {strides = array<i32>} : memref<2048xi32, #tpu.memory_space<vmem>>, vector<16xi32>,
            %get3A_259 = arith.index_cast %mul3A_254 : i32 to index
            %get3A_260 = tpu.vector_load %arg17[%get3A_259] {strides = array<i32>} : memref<2048xf32, #tpu.memory_space<vmem>>, vector<16xf32>,
            %gather3A_261 = tpu.vector_load_idx %arg10[%get3A_258] : memref<65536xf32, #tpu.memory_space<vmem>>[vector<16xi32>], vector<16xf32>,
            %sub3A_262 = vector.broadcast %multiple_of3A : i32 to vector<16xi32>
            %sub3A_263 = arith.subi %get3A_256, %sub3A_262 : vector<16xi32>
            %add3A_264 = arith.addi %mul3A_45, %sub3A_263 : vector<16xi32>
            %mul3A_265 = arith.mulf %get3A_260, %gather3A_261 : vector<16xf32>
            tpu.vector_store_idx %arg11[%add3A_264], %mul3A_265 {add = true} : memref<32784xf32, #tpu.memory_space<vmem>>[vector<16xi32>], vector<16xf32>,
            %mul3A_266 = arith.constant 8 : i32
            %mul3A_267 = arith.muli %scan3A_215, %mul3A_266 : i32
            %add3A_268 = arith.constant 3 : i32
            %add3A_269 = arith.addi %mul3A_267, %add3A_268 : i32
            %mul3A_270 = arith.constant 16 : i32
            %mul3A_271 = arith.muli %add3A_269, %mul3A_270 : i32
            %get3A_272 = arith.index_cast %mul3A_271 : i32 to index
            %get3A_273 = tpu.vector_load %arg13[%get3A_272] {strides = array<i32>} : memref<2048xi32, #tpu.memory_space<vmem>>, vector<16xi32>,
            %get3A_274 = arith.index_cast %mul3A_271 : i32 to index
            %get3A_275 = tpu.vector_load %arg15[%get3A_274] {strides = array<i32>} : memref<2048xi32, #tpu.memory_space<vmem>>, vector<16xi32>,
            %get3A_276 = arith.index_cast %mul3A_271 : i32 to index
            %get3A_277 = tpu.vector_load %arg17[%get3A_276] {strides = array<i32>} : memref<2048xf32, #tpu.memory_space<vmem>>, vector<16xf32>,
            %gather3A_278 = tpu.vector_load_idx %arg10[%get3A_275] : memref<65536xf32, #tpu.memory_space<vmem>>[vector<16xi32>], vector<16xf32>,
            %sub3A_279 = vector.broadcast %multiple_of3A : i32 to vector<16xi32>
            %sub3A_280 = arith.subi %get3A_273, %sub3A_279 : vector<16xi32>
            %add3A_281 = arith.addi %mul3A_45, %sub3A_280 : vector<16xi32>
            %mul3A_282 = arith.mulf %get3A_277, %gather3A_278 : vector<16xf32>
            tpu.vector_store_idx %arg11[%add3A_281], %mul3A_282 {add = true} : memref<32784xf32, #tpu.memory_space<vmem>>[vector<16xi32>], vector<16xf32>,
            %mul3A_283 = arith.constant 8 : i32
            %mul3A_284 = arith.muli %scan3A_215, %mul3A_283 : i32
            %add3A_285 = arith.constant 4 : i32
            %add3A_286 = arith.addi %mul3A_284, %add3A_285 : i32
            %mul3A_287 = arith.constant 16 : i32
            %mul3A_288 = arith.muli %add3A_286, %mul3A_287 : i32
            %get3A_289 = arith.index_cast %mul3A_288 : i32 to index
            %get3A_290 = tpu.vector_load %arg13[%get3A_289] {strides = array<i32>} : memref<2048xi32, #tpu.memory_space<vmem>>, vector<16xi32>,
            %get3A_291 = arith.index_cast %mul3A_288 : i32 to index
            %get3A_292 = tpu.vector_load %arg15[%get3A_291] {strides = array<i32>} : memref<2048xi32, #tpu.memory_space<vmem>>, vector<16xi32>,
            %get3A_293 = arith.index_cast %mul3A_288 : i32 to index
            %get3A_294 = tpu.vector_load %arg17[%get3A_293] {strides = array<i32>} : memref<2048xf32, #tpu.memory_space<vmem>>, vector<16xf32>,
            %gather3A_295 = tpu.vector_load_idx %arg10[%get3A_292] : memref<65536xf32, #tpu.memory_space<vmem>>[vector<16xi32>], vector<16xf32>,
            %sub3A_296 = vector.broadcast %multiple_of3A : i32 to vector<16xi32>
            %sub3A_297 = arith.subi %get3A_290, %sub3A_296 : vector<16xi32>
            %add3A_298 = arith.addi %mul3A_45, %sub3A_297 : vector<16xi32>
            %mul3A_299 = arith.mulf %get3A_294, %gather3A_295 : vector<16xf32>
            tpu.vector_store_idx %arg11[%add3A_298], %mul3A_299 {add = true} : memref<32784xf32, #tpu.memory_space<vmem>>[vector<16xi32>], vector<16xf32>,
            %mul3A_300 = arith.constant 8 : i32
            %mul3A_301 = arith.muli %scan3A_215, %mul3A_300 : i32
            %add3A_302 = arith.constant 5 : i32
            %add3A_303 = arith.addi %mul3A_301, %add3A_302 : i32
            %mul3A_304 = arith.constant 16 : i32
            %mul3A_305 = arith.muli %add3A_303, %mul3A_304 : i32
            %get3A_306 = arith.index_cast %mul3A_305 : i32 to index
            %get3A_307 = tpu.vector_load %arg13[%get3A_306] {strides = array<i32>} : memref<2048xi32, #tpu.memory_space<vmem>>, vector<16xi32>,
            %get3A_308 = arith.index_cast %mul3A_305 : i32 to index
            %get3A_309 = tpu.vector_load %arg15[%get3A_308] {strides = array<i32>} : memref<2048xi32, #tpu.memory_space<vmem>>, vector<16xi32>,
            %get3A_310 = arith.index_cast %mul3A_305 : i32 to index
            %get3A_311 = tpu.vector_load %arg17[%get3A_310] {strides = array<i32>} : memref<2048xf32, #tpu.memory_space<vmem>>, vector<16xf32>,
            %gather3A_312 = tpu.vector_load_idx %arg10[%get3A_309] : memref<65536xf32, #tpu.memory_space<vmem>>[vector<16xi32>], vector<16xf32>,
            %sub3A_313 = vector.broadcast %multiple_of3A : i32 to vector<16xi32>
            %sub3A_314 = arith.subi %get3A_307, %sub3A_313 : vector<16xi32>
            %add3A_315 = arith.addi %mul3A_45, %sub3A_314 : vector<16xi32>
            %mul3A_316 = arith.mulf %get3A_311, %gather3A_312 : vector<16xf32>
            tpu.vector_store_idx %arg11[%add3A_315], %mul3A_316 {add = true} : memref<32784xf32, #tpu.memory_space<vmem>>[vector<16xi32>], vector<16xf32>,
            %mul3A_317 = arith.constant 8 : i32
            %mul3A_318 = arith.muli %scan3A_215, %mul3A_317 : i32
            %add3A_319 = arith.constant 6 : i32
            %add3A_320 = arith.addi %mul3A_318, %add3A_319 : i32
            %mul3A_321 = arith.constant 16 : i32
            %mul3A_322 = arith.muli %add3A_320, %mul3A_321 : i32
            %get3A_323 = arith.index_cast %mul3A_322 : i32 to index
            %get3A_324 = tpu.vector_load %arg13[%get3A_323] {strides = array<i32>} : memref<2048xi32, #tpu.memory_space<vmem>>, vector<16xi32>,
            %get3A_325 = arith.index_cast %mul3A_322 : i32 to index
            %get3A_326 = tpu.vector_load %arg15[%get3A_325] {strides = array<i32>} : memref<2048xi32, #tpu.memory_space<vmem>>, vector<16xi32>,
            %get3A_327 = arith.index_cast %mul3A_322 : i32 to index
            %get3A_328 = tpu.vector_load %arg17[%get3A_327] {strides = array<i32>} : memref<2048xf32, #tpu.memory_space<vmem>>, vector<16xf32>,
            %gather3A_329 = tpu.vector_load_idx %arg10[%get3A_326] : memref<65536xf32, #tpu.memory_space<vmem>>[vector<16xi32>], vector<16xf32>,
            %sub3A_330 = vector.broadcast %multiple_of3A : i32 to vector<16xi32>
            %sub3A_331 = arith.subi %get3A_324, %sub3A_330 : vector<16xi32>
            %add3A_332 = arith.addi %mul3A_45, %sub3A_331 : vector<16xi32>
            %mul3A_333 = arith.mulf %get3A_328, %gather3A_329 : vector<16xf32>
            tpu.vector_store_idx %arg11[%add3A_332], %mul3A_333 {add = true} : memref<32784xf32, #tpu.memory_space<vmem>>[vector<16xi32>], vector<16xf32>,
            %mul3A_334 = arith.constant 8 : i32
            %mul3A_335 = arith.muli %scan3A_215, %mul3A_334 : i32
            %add3A_336 = arith.constant 7 : i32
            %add3A_337 = arith.addi %mul3A_335, %add3A_336 : i32
            %mul3A_338 = arith.constant 16 : i32
            %mul3A_339 = arith.muli %add3A_337, %mul3A_338 : i32
            %get3A_340 = arith.index_cast %mul3A_339 : i32 to index
            %get3A_341 = tpu.vector_load %arg13[%get3A_340] {strides = array<i32>} : memref<2048xi32, #tpu.memory_space<vmem>>, vector<16xi32>,
            %get3A_342 = arith.index_cast %mul3A_339 : i32 to index
            %get3A_343 = tpu.vector_load %arg15[%get3A_342] {strides = array<i32>} : memref<2048xi32, #tpu.memory_space<vmem>>, vector<16xi32>,
            %get3A_344 = arith.index_cast %mul3A_339 : i32 to index
            %get3A_345 = tpu.vector_load %arg17[%get3A_344] {strides = array<i32>} : memref<2048xf32, #tpu.memory_space<vmem>>, vector<16xf32>,
            %gather3A_346 = tpu.vector_load_idx %arg10[%get3A_343] : memref<65536xf32, #tpu.memory_space<vmem>>[vector<16xi32>], vector<16xf32>,
            %sub3A_347 = vector.broadcast %multiple_of3A : i32 to vector<16xi32>
            %sub3A_348 = arith.subi %get3A_341, %sub3A_347 : vector<16xi32>
            %add3A_349 = arith.addi %mul3A_45, %sub3A_348 : vector<16xi32>
            %mul3A_350 = arith.mulf %get3A_345, %gather3A_346 : vector<16xf32>
            tpu.vector_store_idx %arg11[%add3A_349], %mul3A_350 {add = true} : memref<32784xf32, #tpu.memory_space<vmem>>[vector<16xi32>], vector<16xf32>,
          }
          %scan3A_214 = arith.constant 16 : i32
        } else {
        }
        %not3A_204 = arith.constant true
        %not3A_205 = arith.xori %and3A_200, %not3A_204 : i1
        %convert_element_type3A_206 = arith.extui %not3A_205 : i1 to i32
        %cond3A_207 = arith.constant 0 : i32
        %cond3A_208 = arith.cmpi ne, %convert_element_type3A_206, %cond3A_207 : i32
        scf.if %cond3A_208 {
          %scan3A_209 = arith.constant 0 : i32
          %scan3A_210 = arith.constant 0 : i32
          %scan3A_211 = arith.constant 128 : i32
          %scan3A_212 = arith.addi %scan3A_210, %scan3A_211 : i32
          %scan3A_213 = arith.constant 1 : i32
          scf.for %scan3A_215 = %scan3A_210 to %scan3A_212 step %scan3A_213  : i32 {
            %mul3A_216 = arith.constant 16 : i32
            %mul3A_217 = arith.muli %scan3A_215, %mul3A_216 : i32
            %get3A_218 = arith.index_cast %mul3A_217 : i32 to index
            %get3A_219 = tpu.vector_load %arg13[%get3A_218] {strides = array<i32>} : memref<2048xi32, #tpu.memory_space<vmem>>, vector<16xi32>,
            %mul3A_220 = arith.constant 16 : i32
            %mul3A_221 = arith.muli %scan3A_215, %mul3A_220 : i32
            %get3A_222 = arith.index_cast %mul3A_221 : i32 to index
            %get3A_223 = tpu.vector_load %arg15[%get3A_222] {strides = array<i32>} : memref<2048xi32, #tpu.memory_space<vmem>>, vector<16xi32>,
            %mul3A_224 = arith.constant 16 : i32
            %mul3A_225 = arith.muli %scan3A_215, %mul3A_224 : i32
            %get3A_226 = arith.index_cast %mul3A_225 : i32 to index
            %get3A_227 = tpu.vector_load %arg17[%get3A_226] {strides = array<i32>} : memref<2048xf32, #tpu.memory_space<vmem>>, vector<16xf32>,
            %mul3A_228 = arith.constant 16 : i32
            %mul3A_229 = arith.muli %scan3A_215, %mul3A_228 : i32
            %add3A_230 = arith.addi %multiple_of3A_188, %mul3A_229 : i32
            %add3A_231 = vector.broadcast %add3A_230 : i32 to vector<16xi32>
            %add3A_232 = arith.addi %add3A_231, %iota3A : vector<16xi32>
            %ge3A = vector.broadcast %max3A_192 : i32 to vector<16xi32>
            %ge3A_233 = arith.cmpi sge, %add3A_232, %ge3A : vector<16xi32>
            %lt3A_234 = vector.broadcast %min3A_195 : i32 to vector<16xi32>
            %lt3A_235 = arith.cmpi slt, %add3A_232, %lt3A_234 : vector<16xi32>
            %and3A_236 = arith.andi %ge3A_233, %lt3A_235 : vector<16xi1>
            %gather3A = tpu.vector_load_idx %arg10[%get3A_223] masked %and3A_236 : memref<65536xf32, #tpu.memory_space<vmem>>[vector<16xi32>], vector<16xf32>, vector<16xi1>
            %sub3A_237 = vector.broadcast %multiple_of3A : i32 to vector<16xi32>
            %sub3A_238 = arith.subi %get3A_219, %sub3A_237 : vector<16xi32>
            %add3A_239 = arith.addi %mul3A_45, %sub3A_238 : vector<16xi32>
            %jit3A_240 = arith.constant 0 : i32
            %broadcast_in_dim3A_241 = vector.broadcast %jit3A_240 : i32 to vector<16xi32>
            %select_n3A_242 = arith.select %and3A_236, %add3A_239, %broadcast_in_dim3A_241 : vector<16xi1>, vector<16xi32>
            %mul3A_243 = arith.mulf %get3A_227, %gather3A : vector<16xf32>
            tpu.vector_store_idx %arg11[%select_n3A_242], %mul3A_243 masked %and3A_236 {add = true} : memref<32784xf32, #tpu.memory_space<vmem>>[vector<16xi32>], vector<16xf32>, vector<16xi1>
          }
          %scan3A_214 = arith.constant 128 : i32
        } else {
        }
      } else {
      }
    }
    %while3A_82 = arith.constant 1 : i32
    scf.for %while3A_120 = %while3A_80 to %while3A_76 step %while3A_82  : i32 {
      %mul3A_121 = arith.constant 2 : i32
      %mul3A_122 = arith.muli %mul3A_121, %while3A_120 : i32
      %add3A_123 = arith.constant 1 : i32
      %add3A_124 = arith.addi %mul3A_122, %add3A_123 : i32
      %dma_wait3A = arith.constant 0 : i32
      %dma_wait3A_125 = tpu.memref_slice %arg3[%dma_wait3A] : memref<4194304xi32, #tpu.memory_space<hbm>> -> memref<2048xi32, #tpu.memory_space<hbm>>
      %dma_wait3A_126 = arith.constant 0 : i32
      %dma_wait3A_127 = tpu.memref_slice %arg3[%dma_wait3A_126] : memref<4194304xi32, #tpu.memory_space<hbm>> -> memref<2048xi32, #tpu.memory_space<hbm>>
      tpu.wait_dma2 semaphore(%arg22 : memref<!tpu.dma_semaphore, #tpu.memory_space<semaphore_mem>>) src(%dma_wait3A_127 : memref<2048xi32, #tpu.memory_space<hbm>>) dst(%arg12 : memref<2048xi32, #tpu.memory_space<vmem>>)
      %dma_wait3A_128 = arith.constant 0 : i32
      %dma_wait3A_129 = tpu.memref_slice %arg4[%dma_wait3A_128] : memref<4194304xi32, #tpu.memory_space<hbm>> -> memref<2048xi32, #tpu.memory_space<hbm>>
      %dma_wait3A_130 = arith.constant 0 : i32
      %dma_wait3A_131 = tpu.memref_slice %arg4[%dma_wait3A_130] : memref<4194304xi32, #tpu.memory_space<hbm>> -> memref<2048xi32, #tpu.memory_space<hbm>>
      tpu.wait_dma2 semaphore(%arg22 : memref<!tpu.dma_semaphore, #tpu.memory_space<semaphore_mem>>) src(%dma_wait3A_131 : memref<2048xi32, #tpu.memory_space<hbm>>) dst(%arg14 : memref<2048xi32, #tpu.memory_space<vmem>>)
      %dma_wait3A_132 = arith.constant 0 : i32
      %dma_wait3A_133 = tpu.memref_slice %arg5[%dma_wait3A_132] : memref<4194304xf32, #tpu.memory_space<hbm>> -> memref<2048xf32, #tpu.memory_space<hbm>>
      %dma_wait3A_134 = arith.constant 0 : i32
      %dma_wait3A_135 = tpu.memref_slice %arg5[%dma_wait3A_134] : memref<4194304xf32, #tpu.memory_space<hbm>> -> memref<2048xf32, #tpu.memory_space<hbm>>
      tpu.wait_dma2 semaphore(%arg22 : memref<!tpu.dma_semaphore, #tpu.memory_space<semaphore_mem>>) src(%dma_wait3A_135 : memref<2048xf32, #tpu.memory_space<hbm>>) dst(%arg16 : memref<2048xf32, #tpu.memory_space<vmem>>)
      %lt3A = arith.cmpi slt, %add3A_124, %select_n3A : i32
      %convert_element_type3A_136 = arith.extui %lt3A : i1 to i32
      %cond3A_137 = arith.constant 0 : i32
      %cond3A_138 = arith.cmpi ne, %convert_element_type3A_136, %cond3A_137 : i32
      scf.if %cond3A_138 {
        %mul3A_165 = arith.constant 2048 : i32
        %mul3A_166 = arith.muli %add3A_124, %mul3A_165 : i32
        %add3A_167 = arith.addi %and3A_22, %mul3A_166 : i32
        %min3A_168 = arith.constant 4192256 : i32
        %min3A_169 = arith.minsi %add3A_167, %min3A_168 : i32
        %multiple_of3A_170 = tpu.assume_multiple %min3A_169, 16 : i32
        %dma_start3A = tpu.memref_slice %arg3[%multiple_of3A_170] : memref<4194304xi32, #tpu.memory_space<hbm>> -> memref<2048xi32, #tpu.memory_space<hbm>>
        %dma_start3A_171 = tpu.memref_slice %arg3[%multiple_of3A_170] : memref<4194304xi32, #tpu.memory_space<hbm>> -> memref<2048xi32, #tpu.memory_space<hbm>>
        tpu.enqueue_dma source(%dma_start3A_171 : memref<2048xi32, #tpu.memory_space<hbm>>) target(%arg13 : memref<2048xi32, #tpu.memory_space<vmem>>) target_semaphore(%arg22 : memref<!tpu.dma_semaphore, #tpu.memory_space<semaphore_mem>>)
        %dma_start3A_172 = tpu.memref_slice %arg4[%multiple_of3A_170] : memref<4194304xi32, #tpu.memory_space<hbm>> -> memref<2048xi32, #tpu.memory_space<hbm>>
        %dma_start3A_173 = tpu.memref_slice %arg4[%multiple_of3A_170] : memref<4194304xi32, #tpu.memory_space<hbm>> -> memref<2048xi32, #tpu.memory_space<hbm>>
        tpu.enqueue_dma source(%dma_start3A_173 : memref<2048xi32, #tpu.memory_space<hbm>>) target(%arg15 : memref<2048xi32, #tpu.memory_space<vmem>>) target_semaphore(%arg22 : memref<!tpu.dma_semaphore, #tpu.memory_space<semaphore_mem>>)
        %dma_start3A_174 = tpu.memref_slice %arg5[%multiple_of3A_170] : memref<4194304xf32, #tpu.memory_space<hbm>> -> memref<2048xf32, #tpu.memory_space<hbm>>
        %dma_start3A_175 = tpu.memref_slice %arg5[%multiple_of3A_170] : memref<4194304xf32, #tpu.memory_space<hbm>> -> memref<2048xf32, #tpu.memory_space<hbm>>
        tpu.enqueue_dma source(%dma_start3A_175 : memref<2048xf32, #tpu.memory_space<hbm>>) target(%arg17 : memref<2048xf32, #tpu.memory_space<vmem>>) target_semaphore(%arg22 : memref<!tpu.dma_semaphore, #tpu.memory_space<semaphore_mem>>)
      } else {
      }
      %mul3A_139 = arith.constant 2048 : i32
      %mul3A_140 = arith.muli %mul3A_122, %mul3A_139 : i32
      %add3A_141 = arith.addi %and3A_22, %mul3A_140 : i32
      %min3A = arith.constant 4192256 : i32
      %min3A_142 = arith.minsi %add3A_141, %min3A : i32
      %multiple_of3A_143 = tpu.assume_multiple %min3A_142, 16 : i32
      %mul3A_144 = arith.constant 2048 : i32
      %mul3A_145 = arith.muli %mul3A_122, %mul3A_144 : i32
      %add3A_146 = arith.addi %and3A_22, %mul3A_145 : i32
      %max3A = arith.maxsi %squeeze3A, %add3A_146 : i32
      %add3A_147 = arith.constant 2048 : i32
      %add3A_148 = arith.addi %add3A_146, %add3A_147 : i32
      %min3A_149 = arith.minsi %squeeze3A_12, %add3A_148 : i32
      %eq3A = arith.cmpi eq, %max3A, %multiple_of3A_143 : i32
      %add3A_150 = arith.constant 2048 : i32
      %add3A_151 = arith.addi %multiple_of3A_143, %add3A_150 : i32
      %eq3A_152 = arith.cmpi eq, %min3A_149, %add3A_151 : i32
      %and3A_153 = arith.andi %eq3A, %eq3A_152 : i1
      %convert_element_type3A_154 = arith.extui %and3A_153 : i1 to i32
      %cond3A_155 = arith.constant 0 : i32
      %cond3A_156 = arith.cmpi ne, %convert_element_type3A_154, %cond3A_155 : i32
      scf.if %cond3A_156 {
        %scan3A_165 = arith.constant 0 : i32
        %scan3A_166 = arith.constant 0 : i32
        %scan3A_167 = arith.constant 16 : i32
        %scan3A_168 = arith.addi %scan3A_166, %scan3A_167 : i32
        %scan3A_169 = arith.constant 1 : i32
        scf.for %scan3A_171 = %scan3A_166 to %scan3A_168 step %scan3A_169  : i32 {
          %mul3A_172 = arith.constant 8 : i32
          %mul3A_173 = arith.muli %scan3A_171, %mul3A_172 : i32
          %add3A_174 = arith.constant 0 : i32
          %add3A_175 = arith.addi %mul3A_173, %add3A_174 : i32
          %mul3A_176 = arith.constant 16 : i32
          %mul3A_177 = arith.muli %add3A_175, %mul3A_176 : i32
          %get3A_178 = arith.index_cast %mul3A_177 : i32 to index
          %get3A_179 = tpu.vector_load %arg12[%get3A_178] {strides = array<i32>} : memref<2048xi32, #tpu.memory_space<vmem>>, vector<16xi32>,
          %get3A_180 = arith.index_cast %mul3A_177 : i32 to index
          %get3A_181 = tpu.vector_load %arg14[%get3A_180] {strides = array<i32>} : memref<2048xi32, #tpu.memory_space<vmem>>, vector<16xi32>,
          %get3A_182 = arith.index_cast %mul3A_177 : i32 to index
          %get3A_183 = tpu.vector_load %arg16[%get3A_182] {strides = array<i32>} : memref<2048xf32, #tpu.memory_space<vmem>>, vector<16xf32>,
          %gather3A = tpu.vector_load_idx %arg10[%get3A_181] : memref<65536xf32, #tpu.memory_space<vmem>>[vector<16xi32>], vector<16xf32>,
          %sub3A_184 = vector.broadcast %multiple_of3A : i32 to vector<16xi32>
          %sub3A_185 = arith.subi %get3A_179, %sub3A_184 : vector<16xi32>
          %add3A_186 = arith.addi %mul3A_45, %sub3A_185 : vector<16xi32>
          %mul3A_187 = arith.mulf %get3A_183, %gather3A : vector<16xf32>
          tpu.vector_store_idx %arg11[%add3A_186], %mul3A_187 {add = true} : memref<32784xf32, #tpu.memory_space<vmem>>[vector<16xi32>], vector<16xf32>,
          %mul3A_188 = arith.constant 8 : i32
          %mul3A_189 = arith.muli %scan3A_171, %mul3A_188 : i32
          %add3A_190 = arith.constant 1 : i32
          %add3A_191 = arith.addi %mul3A_189, %add3A_190 : i32
          %mul3A_192 = arith.constant 16 : i32
          %mul3A_193 = arith.muli %add3A_191, %mul3A_192 : i32
          %get3A_194 = arith.index_cast %mul3A_193 : i32 to index
          %get3A_195 = tpu.vector_load %arg12[%get3A_194] {strides = array<i32>} : memref<2048xi32, #tpu.memory_space<vmem>>, vector<16xi32>,
          %get3A_196 = arith.index_cast %mul3A_193 : i32 to index
          %get3A_197 = tpu.vector_load %arg14[%get3A_196] {strides = array<i32>} : memref<2048xi32, #tpu.memory_space<vmem>>, vector<16xi32>,
          %get3A_198 = arith.index_cast %mul3A_193 : i32 to index
          %get3A_199 = tpu.vector_load %arg16[%get3A_198] {strides = array<i32>} : memref<2048xf32, #tpu.memory_space<vmem>>, vector<16xf32>,
          %gather3A_200 = tpu.vector_load_idx %arg10[%get3A_197] : memref<65536xf32, #tpu.memory_space<vmem>>[vector<16xi32>], vector<16xf32>,
          %sub3A_201 = vector.broadcast %multiple_of3A : i32 to vector<16xi32>
          %sub3A_202 = arith.subi %get3A_195, %sub3A_201 : vector<16xi32>
          %add3A_203 = arith.addi %mul3A_45, %sub3A_202 : vector<16xi32>
          %mul3A_204 = arith.mulf %get3A_199, %gather3A_200 : vector<16xf32>
          tpu.vector_store_idx %arg11[%add3A_203], %mul3A_204 {add = true} : memref<32784xf32, #tpu.memory_space<vmem>>[vector<16xi32>], vector<16xf32>,
          %mul3A_205 = arith.constant 8 : i32
          %mul3A_206 = arith.muli %scan3A_171, %mul3A_205 : i32
          %add3A_207 = arith.constant 2 : i32
          %add3A_208 = arith.addi %mul3A_206, %add3A_207 : i32
          %mul3A_209 = arith.constant 16 : i32
          %mul3A_210 = arith.muli %add3A_208, %mul3A_209 : i32
          %get3A_211 = arith.index_cast %mul3A_210 : i32 to index
          %get3A_212 = tpu.vector_load %arg12[%get3A_211] {strides = array<i32>} : memref<2048xi32, #tpu.memory_space<vmem>>, vector<16xi32>,
          %get3A_213 = arith.index_cast %mul3A_210 : i32 to index
          %get3A_214 = tpu.vector_load %arg14[%get3A_213] {strides = array<i32>} : memref<2048xi32, #tpu.memory_space<vmem>>, vector<16xi32>,
          %get3A_215 = arith.index_cast %mul3A_210 : i32 to index
          %get3A_216 = tpu.vector_load %arg16[%get3A_215] {strides = array<i32>} : memref<2048xf32, #tpu.memory_space<vmem>>, vector<16xf32>,
          %gather3A_217 = tpu.vector_load_idx %arg10[%get3A_214] : memref<65536xf32, #tpu.memory_space<vmem>>[vector<16xi32>], vector<16xf32>,
          %sub3A_218 = vector.broadcast %multiple_of3A : i32 to vector<16xi32>
          %sub3A_219 = arith.subi %get3A_212, %sub3A_218 : vector<16xi32>
          %add3A_220 = arith.addi %mul3A_45, %sub3A_219 : vector<16xi32>
          %mul3A_221 = arith.mulf %get3A_216, %gather3A_217 : vector<16xf32>
          tpu.vector_store_idx %arg11[%add3A_220], %mul3A_221 {add = true} : memref<32784xf32, #tpu.memory_space<vmem>>[vector<16xi32>], vector<16xf32>,
          %mul3A_222 = arith.constant 8 : i32
          %mul3A_223 = arith.muli %scan3A_171, %mul3A_222 : i32
          %add3A_224 = arith.constant 3 : i32
          %add3A_225 = arith.addi %mul3A_223, %add3A_224 : i32
          %mul3A_226 = arith.constant 16 : i32
          %mul3A_227 = arith.muli %add3A_225, %mul3A_226 : i32
          %get3A_228 = arith.index_cast %mul3A_227 : i32 to index
          %get3A_229 = tpu.vector_load %arg12[%get3A_228] {strides = array<i32>} : memref<2048xi32, #tpu.memory_space<vmem>>, vector<16xi32>,
          %get3A_230 = arith.index_cast %mul3A_227 : i32 to index
          %get3A_231 = tpu.vector_load %arg14[%get3A_230] {strides = array<i32>} : memref<2048xi32, #tpu.memory_space<vmem>>, vector<16xi32>,
          %get3A_232 = arith.index_cast %mul3A_227 : i32 to index
          %get3A_233 = tpu.vector_load %arg16[%get3A_232] {strides = array<i32>} : memref<2048xf32, #tpu.memory_space<vmem>>, vector<16xf32>,
          %gather3A_234 = tpu.vector_load_idx %arg10[%get3A_231] : memref<65536xf32, #tpu.memory_space<vmem>>[vector<16xi32>], vector<16xf32>,
          %sub3A_235 = vector.broadcast %multiple_of3A : i32 to vector<16xi32>
          %sub3A_236 = arith.subi %get3A_229, %sub3A_235 : vector<16xi32>
          %add3A_237 = arith.addi %mul3A_45, %sub3A_236 : vector<16xi32>
          %mul3A_238 = arith.mulf %get3A_233, %gather3A_234 : vector<16xf32>
          tpu.vector_store_idx %arg11[%add3A_237], %mul3A_238 {add = true} : memref<32784xf32, #tpu.memory_space<vmem>>[vector<16xi32>], vector<16xf32>,
          %mul3A_239 = arith.constant 8 : i32
          %mul3A_240 = arith.muli %scan3A_171, %mul3A_239 : i32
          %add3A_241 = arith.constant 4 : i32
          %add3A_242 = arith.addi %mul3A_240, %add3A_241 : i32
          %mul3A_243 = arith.constant 16 : i32
          %mul3A_244 = arith.muli %add3A_242, %mul3A_243 : i32
          %get3A_245 = arith.index_cast %mul3A_244 : i32 to index
          %get3A_246 = tpu.vector_load %arg12[%get3A_245] {strides = array<i32>} : memref<2048xi32, #tpu.memory_space<vmem>>, vector<16xi32>,
          %get3A_247 = arith.index_cast %mul3A_244 : i32 to index
          %get3A_248 = tpu.vector_load %arg14[%get3A_247] {strides = array<i32>} : memref<2048xi32, #tpu.memory_space<vmem>>, vector<16xi32>,
          %get3A_249 = arith.index_cast %mul3A_244 : i32 to index
          %get3A_250 = tpu.vector_load %arg16[%get3A_249] {strides = array<i32>} : memref<2048xf32, #tpu.memory_space<vmem>>, vector<16xf32>,
          %gather3A_251 = tpu.vector_load_idx %arg10[%get3A_248] : memref<65536xf32, #tpu.memory_space<vmem>>[vector<16xi32>], vector<16xf32>,
          %sub3A_252 = vector.broadcast %multiple_of3A : i32 to vector<16xi32>
          %sub3A_253 = arith.subi %get3A_246, %sub3A_252 : vector<16xi32>
          %add3A_254 = arith.addi %mul3A_45, %sub3A_253 : vector<16xi32>
          %mul3A_255 = arith.mulf %get3A_250, %gather3A_251 : vector<16xf32>
          tpu.vector_store_idx %arg11[%add3A_254], %mul3A_255 {add = true} : memref<32784xf32, #tpu.memory_space<vmem>>[vector<16xi32>], vector<16xf32>,
          %mul3A_256 = arith.constant 8 : i32
          %mul3A_257 = arith.muli %scan3A_171, %mul3A_256 : i32
          %add3A_258 = arith.constant 5 : i32
          %add3A_259 = arith.addi %mul3A_257, %add3A_258 : i32
          %mul3A_260 = arith.constant 16 : i32
          %mul3A_261 = arith.muli %add3A_259, %mul3A_260 : i32
          %get3A_262 = arith.index_cast %mul3A_261 : i32 to index
          %get3A_263 = tpu.vector_load %arg12[%get3A_262] {strides = array<i32>} : memref<2048xi32, #tpu.memory_space<vmem>>, vector<16xi32>,
          %get3A_264 = arith.index_cast %mul3A_261 : i32 to index
          %get3A_265 = tpu.vector_load %arg14[%get3A_264] {strides = array<i32>} : memref<2048xi32, #tpu.memory_space<vmem>>, vector<16xi32>,
          %get3A_266 = arith.index_cast %mul3A_261 : i32 to index
          %get3A_267 = tpu.vector_load %arg16[%get3A_266] {strides = array<i32>} : memref<2048xf32, #tpu.memory_space<vmem>>, vector<16xf32>,
          %gather3A_268 = tpu.vector_load_idx %arg10[%get3A_265] : memref<65536xf32, #tpu.memory_space<vmem>>[vector<16xi32>], vector<16xf32>,
          %sub3A_269 = vector.broadcast %multiple_of3A : i32 to vector<16xi32>
          %sub3A_270 = arith.subi %get3A_263, %sub3A_269 : vector<16xi32>
          %add3A_271 = arith.addi %mul3A_45, %sub3A_270 : vector<16xi32>
          %mul3A_272 = arith.mulf %get3A_267, %gather3A_268 : vector<16xf32>
          tpu.vector_store_idx %arg11[%add3A_271], %mul3A_272 {add = true} : memref<32784xf32, #tpu.memory_space<vmem>>[vector<16xi32>], vector<16xf32>,
          %mul3A_273 = arith.constant 8 : i32
          %mul3A_274 = arith.muli %scan3A_171, %mul3A_273 : i32
          %add3A_275 = arith.constant 6 : i32
          %add3A_276 = arith.addi %mul3A_274, %add3A_275 : i32
          %mul3A_277 = arith.constant 16 : i32
          %mul3A_278 = arith.muli %add3A_276, %mul3A_277 : i32
          %get3A_279 = arith.index_cast %mul3A_278 : i32 to index
          %get3A_280 = tpu.vector_load %arg12[%get3A_279] {strides = array<i32>} : memref<2048xi32, #tpu.memory_space<vmem>>, vector<16xi32>,
          %get3A_281 = arith.index_cast %mul3A_278 : i32 to index
          %get3A_282 = tpu.vector_load %arg14[%get3A_281] {strides = array<i32>} : memref<2048xi32, #tpu.memory_space<vmem>>, vector<16xi32>,
          %get3A_283 = arith.index_cast %mul3A_278 : i32 to index
          %get3A_284 = tpu.vector_load %arg16[%get3A_283] {strides = array<i32>} : memref<2048xf32, #tpu.memory_space<vmem>>, vector<16xf32>,
          %gather3A_285 = tpu.vector_load_idx %arg10[%get3A_282] : memref<65536xf32, #tpu.memory_space<vmem>>[vector<16xi32>], vector<16xf32>,
          %sub3A_286 = vector.broadcast %multiple_of3A : i32 to vector<16xi32>
          %sub3A_287 = arith.subi %get3A_280, %sub3A_286 : vector<16xi32>
          %add3A_288 = arith.addi %mul3A_45, %sub3A_287 : vector<16xi32>
          %mul3A_289 = arith.mulf %get3A_284, %gather3A_285 : vector<16xf32>
          tpu.vector_store_idx %arg11[%add3A_288], %mul3A_289 {add = true} : memref<32784xf32, #tpu.memory_space<vmem>>[vector<16xi32>], vector<16xf32>,
          %mul3A_290 = arith.constant 8 : i32
          %mul3A_291 = arith.muli %scan3A_171, %mul3A_290 : i32
          %add3A_292 = arith.constant 7 : i32
          %add3A_293 = arith.addi %mul3A_291, %add3A_292 : i32
          %mul3A_294 = arith.constant 16 : i32
          %mul3A_295 = arith.muli %add3A_293, %mul3A_294 : i32
          %get3A_296 = arith.index_cast %mul3A_295 : i32 to index
          %get3A_297 = tpu.vector_load %arg12[%get3A_296] {strides = array<i32>} : memref<2048xi32, #tpu.memory_space<vmem>>, vector<16xi32>,
          %get3A_298 = arith.index_cast %mul3A_295 : i32 to index
          %get3A_299 = tpu.vector_load %arg14[%get3A_298] {strides = array<i32>} : memref<2048xi32, #tpu.memory_space<vmem>>, vector<16xi32>,
          %get3A_300 = arith.index_cast %mul3A_295 : i32 to index
          %get3A_301 = tpu.vector_load %arg16[%get3A_300] {strides = array<i32>} : memref<2048xf32, #tpu.memory_space<vmem>>, vector<16xf32>,
          %gather3A_302 = tpu.vector_load_idx %arg10[%get3A_299] : memref<65536xf32, #tpu.memory_space<vmem>>[vector<16xi32>], vector<16xf32>,
          %sub3A_303 = vector.broadcast %multiple_of3A : i32 to vector<16xi32>
          %sub3A_304 = arith.subi %get3A_297, %sub3A_303 : vector<16xi32>
          %add3A_305 = arith.addi %mul3A_45, %sub3A_304 : vector<16xi32>
          %mul3A_306 = arith.mulf %get3A_301, %gather3A_302 : vector<16xf32>
          tpu.vector_store_idx %arg11[%add3A_305], %mul3A_306 {add = true} : memref<32784xf32, #tpu.memory_space<vmem>>[vector<16xi32>], vector<16xf32>,
        }
        %scan3A_170 = arith.constant 16 : i32
      } else {
      }
      %not3A = arith.constant true
      %not3A_157 = arith.xori %and3A_153, %not3A : i1
      %convert_element_type3A_158 = arith.extui %not3A_157 : i1 to i32
      %cond3A_159 = arith.constant 0 : i32
      %cond3A_160 = arith.cmpi ne, %convert_element_type3A_158, %cond3A_159 : i32
      scf.if %cond3A_160 {
        %scan3A_165 = arith.constant 0 : i32
        %scan3A_166 = arith.constant 0 : i32
        %scan3A_167 = arith.constant 128 : i32
        %scan3A_168 = arith.addi %scan3A_166, %scan3A_167 : i32
        %scan3A_169 = arith.constant 1 : i32
        scf.for %scan3A_171 = %scan3A_166 to %scan3A_168 step %scan3A_169  : i32 {
          %mul3A_172 = arith.constant 16 : i32
          %mul3A_173 = arith.muli %scan3A_171, %mul3A_172 : i32
          %get3A_174 = arith.index_cast %mul3A_173 : i32 to index
          %get3A_175 = tpu.vector_load %arg12[%get3A_174] {strides = array<i32>} : memref<2048xi32, #tpu.memory_space<vmem>>, vector<16xi32>,
          %mul3A_176 = arith.constant 16 : i32
          %mul3A_177 = arith.muli %scan3A_171, %mul3A_176 : i32
          %get3A_178 = arith.index_cast %mul3A_177 : i32 to index
          %get3A_179 = tpu.vector_load %arg14[%get3A_178] {strides = array<i32>} : memref<2048xi32, #tpu.memory_space<vmem>>, vector<16xi32>,
          %mul3A_180 = arith.constant 16 : i32
          %mul3A_181 = arith.muli %scan3A_171, %mul3A_180 : i32
          %get3A_182 = arith.index_cast %mul3A_181 : i32 to index
          %get3A_183 = tpu.vector_load %arg16[%get3A_182] {strides = array<i32>} : memref<2048xf32, #tpu.memory_space<vmem>>, vector<16xf32>,
          %mul3A_184 = arith.constant 16 : i32
          %mul3A_185 = arith.muli %scan3A_171, %mul3A_184 : i32
          %add3A_186 = arith.addi %multiple_of3A_143, %mul3A_185 : i32
          %add3A_187 = vector.broadcast %add3A_186 : i32 to vector<16xi32>
          %add3A_188 = arith.addi %add3A_187, %iota3A : vector<16xi32>
          %ge3A = vector.broadcast %max3A : i32 to vector<16xi32>
          %ge3A_189 = arith.cmpi sge, %add3A_188, %ge3A : vector<16xi32>
          %lt3A_190 = vector.broadcast %min3A_149 : i32 to vector<16xi32>
          %lt3A_191 = arith.cmpi slt, %add3A_188, %lt3A_190 : vector<16xi32>
          %and3A_192 = arith.andi %ge3A_189, %lt3A_191 : vector<16xi1>
          %gather3A = tpu.vector_load_idx %arg10[%get3A_179] masked %and3A_192 : memref<65536xf32, #tpu.memory_space<vmem>>[vector<16xi32>], vector<16xf32>, vector<16xi1>
          %sub3A_193 = vector.broadcast %multiple_of3A : i32 to vector<16xi32>
          %sub3A_194 = arith.subi %get3A_175, %sub3A_193 : vector<16xi32>
          %add3A_195 = arith.addi %mul3A_45, %sub3A_194 : vector<16xi32>
          %jit3A_196 = arith.constant 0 : i32
          %broadcast_in_dim3A_197 = vector.broadcast %jit3A_196 : i32 to vector<16xi32>
          %select_n3A_198 = arith.select %and3A_192, %add3A_195, %broadcast_in_dim3A_197 : vector<16xi1>, vector<16xi32>
          %mul3A_199 = arith.mulf %get3A_183, %gather3A : vector<16xf32>
          tpu.vector_store_idx %arg11[%select_n3A_198], %mul3A_199 masked %and3A_192 {add = true} : memref<32784xf32, #tpu.memory_space<vmem>>[vector<16xi32>], vector<16xf32>, vector<16xi1>
        }
        %scan3A_170 = arith.constant 128 : i32
      } else {
      }
      %lt3A_161 = arith.cmpi slt, %add3A_124, %select_n3A : i32
      %convert_element_type3A_162 = arith.extui %lt3A_161 : i1 to i32
      %cond3A_163 = arith.constant 0 : i32
      %cond3A_164 = arith.cmpi ne, %convert_element_type3A_162, %cond3A_163 : i32
      scf.if %cond3A_164 {
        %dma_wait3A_165 = arith.constant 0 : i32
        %dma_wait3A_166 = tpu.memref_slice %arg3[%dma_wait3A_165] : memref<4194304xi32, #tpu.memory_space<hbm>> -> memref<2048xi32, #tpu.memory_space<hbm>>
        %dma_wait3A_167 = arith.constant 0 : i32
        %dma_wait3A_168 = tpu.memref_slice %arg3[%dma_wait3A_167] : memref<4194304xi32, #tpu.memory_space<hbm>> -> memref<2048xi32, #tpu.memory_space<hbm>>
        tpu.wait_dma2 semaphore(%arg22 : memref<!tpu.dma_semaphore, #tpu.memory_space<semaphore_mem>>) src(%dma_wait3A_168 : memref<2048xi32, #tpu.memory_space<hbm>>) dst(%arg13 : memref<2048xi32, #tpu.memory_space<vmem>>)
        %dma_wait3A_169 = arith.constant 0 : i32
        %dma_wait3A_170 = tpu.memref_slice %arg4[%dma_wait3A_169] : memref<4194304xi32, #tpu.memory_space<hbm>> -> memref<2048xi32, #tpu.memory_space<hbm>>
        %dma_wait3A_171 = arith.constant 0 : i32
        %dma_wait3A_172 = tpu.memref_slice %arg4[%dma_wait3A_171] : memref<4194304xi32, #tpu.memory_space<hbm>> -> memref<2048xi32, #tpu.memory_space<hbm>>
        tpu.wait_dma2 semaphore(%arg22 : memref<!tpu.dma_semaphore, #tpu.memory_space<semaphore_mem>>) src(%dma_wait3A_172 : memref<2048xi32, #tpu.memory_space<hbm>>) dst(%arg15 : memref<2048xi32, #tpu.memory_space<vmem>>)
        %dma_wait3A_173 = arith.constant 0 : i32
        %dma_wait3A_174 = tpu.memref_slice %arg5[%dma_wait3A_173] : memref<4194304xf32, #tpu.memory_space<hbm>> -> memref<2048xf32, #tpu.memory_space<hbm>>
        %dma_wait3A_175 = arith.constant 0 : i32
        %dma_wait3A_176 = tpu.memref_slice %arg5[%dma_wait3A_175] : memref<4194304xf32, #tpu.memory_space<hbm>> -> memref<2048xf32, #tpu.memory_space<hbm>>
        tpu.wait_dma2 semaphore(%arg22 : memref<!tpu.dma_semaphore, #tpu.memory_space<semaphore_mem>>) src(%dma_wait3A_176 : memref<2048xf32, #tpu.memory_space<hbm>>) dst(%arg17 : memref<2048xf32, #tpu.memory_space<vmem>>)
        %add3A_177 = arith.constant 1 : i32
        %add3A_178 = arith.addi %add3A_124, %add3A_177 : i32
        %lt3A_179 = arith.cmpi slt, %add3A_178, %select_n3A : i32
        %convert_element_type3A_180 = arith.extui %lt3A_179 : i1 to i32
        %cond3A_181 = arith.constant 0 : i32
        %cond3A_182 = arith.cmpi ne, %convert_element_type3A_180, %cond3A_181 : i32
        scf.if %cond3A_182 {
          %add3A_209 = arith.constant 1 : i32
          %add3A_210 = arith.addi %add3A_124, %add3A_209 : i32
          %mul3A_211 = arith.constant 2048 : i32
          %mul3A_212 = arith.muli %add3A_210, %mul3A_211 : i32
          %add3A_213 = arith.addi %and3A_22, %mul3A_212 : i32
          %min3A_214 = arith.constant 4192256 : i32
          %min3A_215 = arith.minsi %add3A_213, %min3A_214 : i32
          %multiple_of3A_216 = tpu.assume_multiple %min3A_215, 16 : i32
          %dma_start3A = tpu.memref_slice %arg3[%multiple_of3A_216] : memref<4194304xi32, #tpu.memory_space<hbm>> -> memref<2048xi32, #tpu.memory_space<hbm>>
          %dma_start3A_217 = tpu.memref_slice %arg3[%multiple_of3A_216] : memref<4194304xi32, #tpu.memory_space<hbm>> -> memref<2048xi32, #tpu.memory_space<hbm>>
          tpu.enqueue_dma source(%dma_start3A_217 : memref<2048xi32, #tpu.memory_space<hbm>>) target(%arg12 : memref<2048xi32, #tpu.memory_space<vmem>>) target_semaphore(%arg22 : memref<!tpu.dma_semaphore, #tpu.memory_space<semaphore_mem>>)
          %dma_start3A_218 = tpu.memref_slice %arg4[%multiple_of3A_216] : memref<4194304xi32, #tpu.memory_space<hbm>> -> memref<2048xi32, #tpu.memory_space<hbm>>
          %dma_start3A_219 = tpu.memref_slice %arg4[%multiple_of3A_216] : memref<4194304xi32, #tpu.memory_space<hbm>> -> memref<2048xi32, #tpu.memory_space<hbm>>
          tpu.enqueue_dma source(%dma_start3A_219 : memref<2048xi32, #tpu.memory_space<hbm>>) target(%arg14 : memref<2048xi32, #tpu.memory_space<vmem>>) target_semaphore(%arg22 : memref<!tpu.dma_semaphore, #tpu.memory_space<semaphore_mem>>)
          %dma_start3A_220 = tpu.memref_slice %arg5[%multiple_of3A_216] : memref<4194304xf32, #tpu.memory_space<hbm>> -> memref<2048xf32, #tpu.memory_space<hbm>>
          %dma_start3A_221 = tpu.memref_slice %arg5[%multiple_of3A_216] : memref<4194304xf32, #tpu.memory_space<hbm>> -> memref<2048xf32, #tpu.memory_space<hbm>>
          tpu.enqueue_dma source(%dma_start3A_221 : memref<2048xf32, #tpu.memory_space<hbm>>) target(%arg16 : memref<2048xf32, #tpu.memory_space<vmem>>) target_semaphore(%arg22 : memref<!tpu.dma_semaphore, #tpu.memory_space<semaphore_mem>>)
        } else {
        }
        %mul3A_183 = arith.constant 2048 : i32
        %mul3A_184 = arith.muli %add3A_124, %mul3A_183 : i32
        %add3A_185 = arith.addi %and3A_22, %mul3A_184 : i32
        %min3A_186 = arith.constant 4192256 : i32
        %min3A_187 = arith.minsi %add3A_185, %min3A_186 : i32
        %multiple_of3A_188 = tpu.assume_multiple %min3A_187, 16 : i32
        %mul3A_189 = arith.constant 2048 : i32
        %mul3A_190 = arith.muli %add3A_124, %mul3A_189 : i32
        %add3A_191 = arith.addi %and3A_22, %mul3A_190 : i32
        %max3A_192 = arith.maxsi %squeeze3A, %add3A_191 : i32
        %add3A_193 = arith.constant 2048 : i32
        %add3A_194 = arith.addi %add3A_191, %add3A_193 : i32
        %min3A_195 = arith.minsi %squeeze3A_12, %add3A_194 : i32
        %eq3A_196 = arith.cmpi eq, %max3A_192, %multiple_of3A_188 : i32
        %add3A_197 = arith.constant 2048 : i32
        %add3A_198 = arith.addi %multiple_of3A_188, %add3A_197 : i32
        %eq3A_199 = arith.cmpi eq, %min3A_195, %add3A_198 : i32
        %and3A_200 = arith.andi %eq3A_196, %eq3A_199 : i1
        %convert_element_type3A_201 = arith.extui %and3A_200 : i1 to i32
        %cond3A_202 = arith.constant 0 : i32
        %cond3A_203 = arith.cmpi ne, %convert_element_type3A_201, %cond3A_202 : i32
        scf.if %cond3A_203 {
          %scan3A_209 = arith.constant 0 : i32
          %scan3A_210 = arith.constant 0 : i32
          %scan3A_211 = arith.constant 16 : i32
          %scan3A_212 = arith.addi %scan3A_210, %scan3A_211 : i32
          %scan3A_213 = arith.constant 1 : i32
          scf.for %scan3A_215 = %scan3A_210 to %scan3A_212 step %scan3A_213  : i32 {
            %mul3A_216 = arith.constant 8 : i32
            %mul3A_217 = arith.muli %scan3A_215, %mul3A_216 : i32
            %add3A_218 = arith.constant 0 : i32
            %add3A_219 = arith.addi %mul3A_217, %add3A_218 : i32
            %mul3A_220 = arith.constant 16 : i32
            %mul3A_221 = arith.muli %add3A_219, %mul3A_220 : i32
            %get3A_222 = arith.index_cast %mul3A_221 : i32 to index
            %get3A_223 = tpu.vector_load %arg13[%get3A_222] {strides = array<i32>} : memref<2048xi32, #tpu.memory_space<vmem>>, vector<16xi32>,
            %get3A_224 = arith.index_cast %mul3A_221 : i32 to index
            %get3A_225 = tpu.vector_load %arg15[%get3A_224] {strides = array<i32>} : memref<2048xi32, #tpu.memory_space<vmem>>, vector<16xi32>,
            %get3A_226 = arith.index_cast %mul3A_221 : i32 to index
            %get3A_227 = tpu.vector_load %arg17[%get3A_226] {strides = array<i32>} : memref<2048xf32, #tpu.memory_space<vmem>>, vector<16xf32>,
            %gather3A = tpu.vector_load_idx %arg10[%get3A_225] : memref<65536xf32, #tpu.memory_space<vmem>>[vector<16xi32>], vector<16xf32>,
            %sub3A_228 = vector.broadcast %multiple_of3A : i32 to vector<16xi32>
            %sub3A_229 = arith.subi %get3A_223, %sub3A_228 : vector<16xi32>
            %add3A_230 = arith.addi %mul3A_45, %sub3A_229 : vector<16xi32>
            %mul3A_231 = arith.mulf %get3A_227, %gather3A : vector<16xf32>
            tpu.vector_store_idx %arg11[%add3A_230], %mul3A_231 {add = true} : memref<32784xf32, #tpu.memory_space<vmem>>[vector<16xi32>], vector<16xf32>,
            %mul3A_232 = arith.constant 8 : i32
            %mul3A_233 = arith.muli %scan3A_215, %mul3A_232 : i32
            %add3A_234 = arith.constant 1 : i32
            %add3A_235 = arith.addi %mul3A_233, %add3A_234 : i32
            %mul3A_236 = arith.constant 16 : i32
            %mul3A_237 = arith.muli %add3A_235, %mul3A_236 : i32
            %get3A_238 = arith.index_cast %mul3A_237 : i32 to index
            %get3A_239 = tpu.vector_load %arg13[%get3A_238] {strides = array<i32>} : memref<2048xi32, #tpu.memory_space<vmem>>, vector<16xi32>,
            %get3A_240 = arith.index_cast %mul3A_237 : i32 to index
            %get3A_241 = tpu.vector_load %arg15[%get3A_240] {strides = array<i32>} : memref<2048xi32, #tpu.memory_space<vmem>>, vector<16xi32>,
            %get3A_242 = arith.index_cast %mul3A_237 : i32 to index
            %get3A_243 = tpu.vector_load %arg17[%get3A_242] {strides = array<i32>} : memref<2048xf32, #tpu.memory_space<vmem>>, vector<16xf32>,
            %gather3A_244 = tpu.vector_load_idx %arg10[%get3A_241] : memref<65536xf32, #tpu.memory_space<vmem>>[vector<16xi32>], vector<16xf32>,
            %sub3A_245 = vector.broadcast %multiple_of3A : i32 to vector<16xi32>
            %sub3A_246 = arith.subi %get3A_239, %sub3A_245 : vector<16xi32>
            %add3A_247 = arith.addi %mul3A_45, %sub3A_246 : vector<16xi32>
            %mul3A_248 = arith.mulf %get3A_243, %gather3A_244 : vector<16xf32>
            tpu.vector_store_idx %arg11[%add3A_247], %mul3A_248 {add = true} : memref<32784xf32, #tpu.memory_space<vmem>>[vector<16xi32>], vector<16xf32>,
            %mul3A_249 = arith.constant 8 : i32
            %mul3A_250 = arith.muli %scan3A_215, %mul3A_249 : i32
            %add3A_251 = arith.constant 2 : i32
            %add3A_252 = arith.addi %mul3A_250, %add3A_251 : i32
            %mul3A_253 = arith.constant 16 : i32
            %mul3A_254 = arith.muli %add3A_252, %mul3A_253 : i32
            %get3A_255 = arith.index_cast %mul3A_254 : i32 to index
            %get3A_256 = tpu.vector_load %arg13[%get3A_255] {strides = array<i32>} : memref<2048xi32, #tpu.memory_space<vmem>>, vector<16xi32>,
            %get3A_257 = arith.index_cast %mul3A_254 : i32 to index
            %get3A_258 = tpu.vector_load %arg15[%get3A_257] {strides = array<i32>} : memref<2048xi32, #tpu.memory_space<vmem>>, vector<16xi32>,
            %get3A_259 = arith.index_cast %mul3A_254 : i32 to index
            %get3A_260 = tpu.vector_load %arg17[%get3A_259] {strides = array<i32>} : memref<2048xf32, #tpu.memory_space<vmem>>, vector<16xf32>,
            %gather3A_261 = tpu.vector_load_idx %arg10[%get3A_258] : memref<65536xf32, #tpu.memory_space<vmem>>[vector<16xi32>], vector<16xf32>,
            %sub3A_262 = vector.broadcast %multiple_of3A : i32 to vector<16xi32>
            %sub3A_263 = arith.subi %get3A_256, %sub3A_262 : vector<16xi32>
            %add3A_264 = arith.addi %mul3A_45, %sub3A_263 : vector<16xi32>
            %mul3A_265 = arith.mulf %get3A_260, %gather3A_261 : vector<16xf32>
            tpu.vector_store_idx %arg11[%add3A_264], %mul3A_265 {add = true} : memref<32784xf32, #tpu.memory_space<vmem>>[vector<16xi32>], vector<16xf32>,
            %mul3A_266 = arith.constant 8 : i32
            %mul3A_267 = arith.muli %scan3A_215, %mul3A_266 : i32
            %add3A_268 = arith.constant 3 : i32
            %add3A_269 = arith.addi %mul3A_267, %add3A_268 : i32
            %mul3A_270 = arith.constant 16 : i32
            %mul3A_271 = arith.muli %add3A_269, %mul3A_270 : i32
            %get3A_272 = arith.index_cast %mul3A_271 : i32 to index
            %get3A_273 = tpu.vector_load %arg13[%get3A_272] {strides = array<i32>} : memref<2048xi32, #tpu.memory_space<vmem>>, vector<16xi32>,
            %get3A_274 = arith.index_cast %mul3A_271 : i32 to index
            %get3A_275 = tpu.vector_load %arg15[%get3A_274] {strides = array<i32>} : memref<2048xi32, #tpu.memory_space<vmem>>, vector<16xi32>,
            %get3A_276 = arith.index_cast %mul3A_271 : i32 to index
            %get3A_277 = tpu.vector_load %arg17[%get3A_276] {strides = array<i32>} : memref<2048xf32, #tpu.memory_space<vmem>>, vector<16xf32>,
            %gather3A_278 = tpu.vector_load_idx %arg10[%get3A_275] : memref<65536xf32, #tpu.memory_space<vmem>>[vector<16xi32>], vector<16xf32>,
            %sub3A_279 = vector.broadcast %multiple_of3A : i32 to vector<16xi32>
            %sub3A_280 = arith.subi %get3A_273, %sub3A_279 : vector<16xi32>
            %add3A_281 = arith.addi %mul3A_45, %sub3A_280 : vector<16xi32>
            %mul3A_282 = arith.mulf %get3A_277, %gather3A_278 : vector<16xf32>
            tpu.vector_store_idx %arg11[%add3A_281], %mul3A_282 {add = true} : memref<32784xf32, #tpu.memory_space<vmem>>[vector<16xi32>], vector<16xf32>,
            %mul3A_283 = arith.constant 8 : i32
            %mul3A_284 = arith.muli %scan3A_215, %mul3A_283 : i32
            %add3A_285 = arith.constant 4 : i32
            %add3A_286 = arith.addi %mul3A_284, %add3A_285 : i32
            %mul3A_287 = arith.constant 16 : i32
            %mul3A_288 = arith.muli %add3A_286, %mul3A_287 : i32
            %get3A_289 = arith.index_cast %mul3A_288 : i32 to index
            %get3A_290 = tpu.vector_load %arg13[%get3A_289] {strides = array<i32>} : memref<2048xi32, #tpu.memory_space<vmem>>, vector<16xi32>,
            %get3A_291 = arith.index_cast %mul3A_288 : i32 to index
            %get3A_292 = tpu.vector_load %arg15[%get3A_291] {strides = array<i32>} : memref<2048xi32, #tpu.memory_space<vmem>>, vector<16xi32>,
            %get3A_293 = arith.index_cast %mul3A_288 : i32 to index
            %get3A_294 = tpu.vector_load %arg17[%get3A_293] {strides = array<i32>} : memref<2048xf32, #tpu.memory_space<vmem>>, vector<16xf32>,
            %gather3A_295 = tpu.vector_load_idx %arg10[%get3A_292] : memref<65536xf32, #tpu.memory_space<vmem>>[vector<16xi32>], vector<16xf32>,
            %sub3A_296 = vector.broadcast %multiple_of3A : i32 to vector<16xi32>
            %sub3A_297 = arith.subi %get3A_290, %sub3A_296 : vector<16xi32>
            %add3A_298 = arith.addi %mul3A_45, %sub3A_297 : vector<16xi32>
            %mul3A_299 = arith.mulf %get3A_294, %gather3A_295 : vector<16xf32>
            tpu.vector_store_idx %arg11[%add3A_298], %mul3A_299 {add = true} : memref<32784xf32, #tpu.memory_space<vmem>>[vector<16xi32>], vector<16xf32>,
            %mul3A_300 = arith.constant 8 : i32
            %mul3A_301 = arith.muli %scan3A_215, %mul3A_300 : i32
            %add3A_302 = arith.constant 5 : i32
            %add3A_303 = arith.addi %mul3A_301, %add3A_302 : i32
            %mul3A_304 = arith.constant 16 : i32
            %mul3A_305 = arith.muli %add3A_303, %mul3A_304 : i32
            %get3A_306 = arith.index_cast %mul3A_305 : i32 to index
            %get3A_307 = tpu.vector_load %arg13[%get3A_306] {strides = array<i32>} : memref<2048xi32, #tpu.memory_space<vmem>>, vector<16xi32>,
            %get3A_308 = arith.index_cast %mul3A_305 : i32 to index
            %get3A_309 = tpu.vector_load %arg15[%get3A_308] {strides = array<i32>} : memref<2048xi32, #tpu.memory_space<vmem>>, vector<16xi32>,
            %get3A_310 = arith.index_cast %mul3A_305 : i32 to index
            %get3A_311 = tpu.vector_load %arg17[%get3A_310] {strides = array<i32>} : memref<2048xf32, #tpu.memory_space<vmem>>, vector<16xf32>,
            %gather3A_312 = tpu.vector_load_idx %arg10[%get3A_309] : memref<65536xf32, #tpu.memory_space<vmem>>[vector<16xi32>], vector<16xf32>,
            %sub3A_313 = vector.broadcast %multiple_of3A : i32 to vector<16xi32>
            %sub3A_314 = arith.subi %get3A_307, %sub3A_313 : vector<16xi32>
            %add3A_315 = arith.addi %mul3A_45, %sub3A_314 : vector<16xi32>
            %mul3A_316 = arith.mulf %get3A_311, %gather3A_312 : vector<16xf32>
            tpu.vector_store_idx %arg11[%add3A_315], %mul3A_316 {add = true} : memref<32784xf32, #tpu.memory_space<vmem>>[vector<16xi32>], vector<16xf32>,
            %mul3A_317 = arith.constant 8 : i32
            %mul3A_318 = arith.muli %scan3A_215, %mul3A_317 : i32
            %add3A_319 = arith.constant 6 : i32
            %add3A_320 = arith.addi %mul3A_318, %add3A_319 : i32
            %mul3A_321 = arith.constant 16 : i32
            %mul3A_322 = arith.muli %add3A_320, %mul3A_321 : i32
            %get3A_323 = arith.index_cast %mul3A_322 : i32 to index
            %get3A_324 = tpu.vector_load %arg13[%get3A_323] {strides = array<i32>} : memref<2048xi32, #tpu.memory_space<vmem>>, vector<16xi32>,
            %get3A_325 = arith.index_cast %mul3A_322 : i32 to index
            %get3A_326 = tpu.vector_load %arg15[%get3A_325] {strides = array<i32>} : memref<2048xi32, #tpu.memory_space<vmem>>, vector<16xi32>,
            %get3A_327 = arith.index_cast %mul3A_322 : i32 to index
            %get3A_328 = tpu.vector_load %arg17[%get3A_327] {strides = array<i32>} : memref<2048xf32, #tpu.memory_space<vmem>>, vector<16xf32>,
            %gather3A_329 = tpu.vector_load_idx %arg10[%get3A_326] : memref<65536xf32, #tpu.memory_space<vmem>>[vector<16xi32>], vector<16xf32>,
            %sub3A_330 = vector.broadcast %multiple_of3A : i32 to vector<16xi32>
            %sub3A_331 = arith.subi %get3A_324, %sub3A_330 : vector<16xi32>
            %add3A_332 = arith.addi %mul3A_45, %sub3A_331 : vector<16xi32>
            %mul3A_333 = arith.mulf %get3A_328, %gather3A_329 : vector<16xf32>
            tpu.vector_store_idx %arg11[%add3A_332], %mul3A_333 {add = true} : memref<32784xf32, #tpu.memory_space<vmem>>[vector<16xi32>], vector<16xf32>,
            %mul3A_334 = arith.constant 8 : i32
            %mul3A_335 = arith.muli %scan3A_215, %mul3A_334 : i32
            %add3A_336 = arith.constant 7 : i32
            %add3A_337 = arith.addi %mul3A_335, %add3A_336 : i32
            %mul3A_338 = arith.constant 16 : i32
            %mul3A_339 = arith.muli %add3A_337, %mul3A_338 : i32
            %get3A_340 = arith.index_cast %mul3A_339 : i32 to index
            %get3A_341 = tpu.vector_load %arg13[%get3A_340] {strides = array<i32>} : memref<2048xi32, #tpu.memory_space<vmem>>, vector<16xi32>,
            %get3A_342 = arith.index_cast %mul3A_339 : i32 to index
            %get3A_343 = tpu.vector_load %arg15[%get3A_342] {strides = array<i32>} : memref<2048xi32, #tpu.memory_space<vmem>>, vector<16xi32>,
            %get3A_344 = arith.index_cast %mul3A_339 : i32 to index
            %get3A_345 = tpu.vector_load %arg17[%get3A_344] {strides = array<i32>} : memref<2048xf32, #tpu.memory_space<vmem>>, vector<16xf32>,
            %gather3A_346 = tpu.vector_load_idx %arg10[%get3A_343] : memref<65536xf32, #tpu.memory_space<vmem>>[vector<16xi32>], vector<16xf32>,
            %sub3A_347 = vector.broadcast %multiple_of3A : i32 to vector<16xi32>
            %sub3A_348 = arith.subi %get3A_341, %sub3A_347 : vector<16xi32>
            %add3A_349 = arith.addi %mul3A_45, %sub3A_348 : vector<16xi32>
            %mul3A_350 = arith.mulf %get3A_345, %gather3A_346 : vector<16xf32>
            tpu.vector_store_idx %arg11[%add3A_349], %mul3A_350 {add = true} : memref<32784xf32, #tpu.memory_space<vmem>>[vector<16xi32>], vector<16xf32>,
          }
          %scan3A_214 = arith.constant 16 : i32
        } else {
        }
        %not3A_204 = arith.constant true
        %not3A_205 = arith.xori %and3A_200, %not3A_204 : i1
        %convert_element_type3A_206 = arith.extui %not3A_205 : i1 to i32
        %cond3A_207 = arith.constant 0 : i32
        %cond3A_208 = arith.cmpi ne, %convert_element_type3A_206, %cond3A_207 : i32
        scf.if %cond3A_208 {
          %scan3A_209 = arith.constant 0 : i32
          %scan3A_210 = arith.constant 0 : i32
          %scan3A_211 = arith.constant 128 : i32
          %scan3A_212 = arith.addi %scan3A_210, %scan3A_211 : i32
          %scan3A_213 = arith.constant 1 : i32
          scf.for %scan3A_215 = %scan3A_210 to %scan3A_212 step %scan3A_213  : i32 {
            %mul3A_216 = arith.constant 16 : i32
            %mul3A_217 = arith.muli %scan3A_215, %mul3A_216 : i32
            %get3A_218 = arith.index_cast %mul3A_217 : i32 to index
            %get3A_219 = tpu.vector_load %arg13[%get3A_218] {strides = array<i32>} : memref<2048xi32, #tpu.memory_space<vmem>>, vector<16xi32>,
            %mul3A_220 = arith.constant 16 : i32
            %mul3A_221 = arith.muli %scan3A_215, %mul3A_220 : i32
            %get3A_222 = arith.index_cast %mul3A_221 : i32 to index
            %get3A_223 = tpu.vector_load %arg15[%get3A_222] {strides = array<i32>} : memref<2048xi32, #tpu.memory_space<vmem>>, vector<16xi32>,
            %mul3A_224 = arith.constant 16 : i32
            %mul3A_225 = arith.muli %scan3A_215, %mul3A_224 : i32
            %get3A_226 = arith.index_cast %mul3A_225 : i32 to index
            %get3A_227 = tpu.vector_load %arg17[%get3A_226] {strides = array<i32>} : memref<2048xf32, #tpu.memory_space<vmem>>, vector<16xf32>,
            %mul3A_228 = arith.constant 16 : i32
            %mul3A_229 = arith.muli %scan3A_215, %mul3A_228 : i32
            %add3A_230 = arith.addi %multiple_of3A_188, %mul3A_229 : i32
            %add3A_231 = vector.broadcast %add3A_230 : i32 to vector<16xi32>
            %add3A_232 = arith.addi %add3A_231, %iota3A : vector<16xi32>
            %ge3A = vector.broadcast %max3A_192 : i32 to vector<16xi32>
            %ge3A_233 = arith.cmpi sge, %add3A_232, %ge3A : vector<16xi32>
            %lt3A_234 = vector.broadcast %min3A_195 : i32 to vector<16xi32>
            %lt3A_235 = arith.cmpi slt, %add3A_232, %lt3A_234 : vector<16xi32>
            %and3A_236 = arith.andi %ge3A_233, %lt3A_235 : vector<16xi1>
            %gather3A = tpu.vector_load_idx %arg10[%get3A_223] masked %and3A_236 : memref<65536xf32, #tpu.memory_space<vmem>>[vector<16xi32>], vector<16xf32>, vector<16xi1>
            %sub3A_237 = vector.broadcast %multiple_of3A : i32 to vector<16xi32>
            %sub3A_238 = arith.subi %get3A_219, %sub3A_237 : vector<16xi32>
            %add3A_239 = arith.addi %mul3A_45, %sub3A_238 : vector<16xi32>
            %jit3A_240 = arith.constant 0 : i32
            %broadcast_in_dim3A_241 = vector.broadcast %jit3A_240 : i32 to vector<16xi32>
            %select_n3A_242 = arith.select %and3A_236, %add3A_239, %broadcast_in_dim3A_241 : vector<16xi1>, vector<16xi32>
            %mul3A_243 = arith.mulf %get3A_227, %gather3A : vector<16xf32>
            tpu.vector_store_idx %arg11[%select_n3A_242], %mul3A_243 masked %and3A_236 {add = true} : memref<32784xf32, #tpu.memory_space<vmem>>[vector<16xi32>], vector<16xf32>, vector<16xi1>
          }
          %scan3A_214 = arith.constant 128 : i32
        } else {
        }
      } else {
      }
    }
    "tpu.region"() ({
      %run_scoped3A = tpu.sem_alloc : memref<!tpu.dma_semaphore, #tpu.memory_space<semaphore_mem>>
      %dma_start3A = tpu.memref_slice %arg6[%multiple_of3A] : memref<65536xf32, #tpu.memory_space<hbm>> -> memref<2048xf32, #tpu.memory_space<hbm>>
      %dma_start3A_120 = tpu.memref_slice %arg6[%multiple_of3A] : memref<65536xf32, #tpu.memory_space<hbm>> -> memref<2048xf32, #tpu.memory_space<hbm>>
      tpu.enqueue_dma source(%dma_start3A_120 : memref<2048xf32, #tpu.memory_space<hbm>>) target(%arg18 : memref<2048xf32, #tpu.memory_space<vmem>>) target_semaphore(%run_scoped3A : memref<!tpu.dma_semaphore, #tpu.memory_space<semaphore_mem>>)
      %dma_wait3A = tpu.memref_slice %arg6[%multiple_of3A] : memref<65536xf32, #tpu.memory_space<hbm>> -> memref<2048xf32, #tpu.memory_space<hbm>>
      %dma_wait3A_121 = tpu.memref_slice %arg6[%multiple_of3A] : memref<65536xf32, #tpu.memory_space<hbm>> -> memref<2048xf32, #tpu.memory_space<hbm>>
      tpu.wait_dma2 semaphore(%run_scoped3A : memref<!tpu.dma_semaphore, #tpu.memory_space<semaphore_mem>>) src(%dma_wait3A_121 : memref<2048xf32, #tpu.memory_space<hbm>>) dst(%arg18 : memref<2048xf32, #tpu.memory_space<vmem>>)
      tpu.yield
    }) : () -> ()
    "tpu.region"() ({
      %run_scoped3A = tpu.sem_alloc : memref<!tpu.dma_semaphore, #tpu.memory_space<semaphore_mem>>
      %dma_start3A = tpu.memref_slice %arg7[%multiple_of3A] : memref<65536xi32, #tpu.memory_space<hbm>> -> memref<2048xi32, #tpu.memory_space<hbm>>
      %dma_start3A_120 = tpu.memref_slice %arg7[%multiple_of3A] : memref<65536xi32, #tpu.memory_space<hbm>> -> memref<2048xi32, #tpu.memory_space<hbm>>
      tpu.enqueue_dma source(%dma_start3A_120 : memref<2048xi32, #tpu.memory_space<hbm>>) target(%arg19 : memref<2048xi32, #tpu.memory_space<vmem>>) target_semaphore(%run_scoped3A : memref<!tpu.dma_semaphore, #tpu.memory_space<semaphore_mem>>)
      %dma_wait3A = tpu.memref_slice %arg7[%multiple_of3A] : memref<65536xi32, #tpu.memory_space<hbm>> -> memref<2048xi32, #tpu.memory_space<hbm>>
      %dma_wait3A_121 = tpu.memref_slice %arg7[%multiple_of3A] : memref<65536xi32, #tpu.memory_space<hbm>> -> memref<2048xi32, #tpu.memory_space<hbm>>
      tpu.wait_dma2 semaphore(%run_scoped3A : memref<!tpu.dma_semaphore, #tpu.memory_space<semaphore_mem>>) src(%dma_wait3A_121 : memref<2048xi32, #tpu.memory_space<hbm>>) dst(%arg19 : memref<2048xi32, #tpu.memory_space<vmem>>)
      tpu.yield
    }) : () -> ()
    %broadcast_in_dim3A_83 = arith.constant 0.000000e+00 : f32
    %broadcast_in_dim3A_84 = vector.broadcast %broadcast_in_dim3A_83 : f32 to vector<16xf32>
    %scan3A_85 = arith.constant 0 : i32
    %scan3A_86 = arith.constant 128 : i32
    %scan3A_87 = arith.addi %scan3A_85, %scan3A_86 : i32
    %scan3A_88 = arith.constant 1 : i32
    %scan3A_89 = scf.for %scan3A_120 = %scan3A_85 to %scan3A_87 step %scan3A_88 iter_args(%scan3A_121 = %broadcast_in_dim3A_84) -> (vector<16xf32>)  : i32 {
      %mul3A_122 = arith.constant 16 : i32
      %mul3A_123 = arith.muli %scan3A_120, %mul3A_122 : i32
      %get3A_124 = arith.index_cast %mul3A_123 : i32 to index
      %get3A_125 = tpu.vector_load %arg11[%get3A_124] {strides = array<i32>} : memref<32784xf32, #tpu.memory_space<vmem>>, vector<16xf32>,
      %mul3A_126 = arith.constant 16 : i32
      %mul3A_127 = arith.muli %scan3A_120, %mul3A_126 : i32
      %add3A_128 = arith.constant 2049 : i32
      %add3A_129 = arith.addi %add3A_128, %mul3A_127 : i32
      %get3A_130 = arith.index_cast %add3A_129 : i32 to index
      %get3A_131 = tpu.vector_load %arg11[%get3A_130] {strides = array<i32>} : memref<32784xf32, #tpu.memory_space<vmem>>, vector<16xf32>,
      %add3A_132 = arith.addf %get3A_125, %get3A_131 : vector<16xf32>
      %mul3A_133 = arith.constant 16 : i32
      %mul3A_134 = arith.muli %scan3A_120, %mul3A_133 : i32
      %add3A_135 = arith.constant 4098 : i32
      %add3A_136 = arith.addi %add3A_135, %mul3A_134 : i32
      %get3A_137 = arith.index_cast %add3A_136 : i32 to index
      %get3A_138 = tpu.vector_load %arg11[%get3A_137] {strides = array<i32>} : memref<32784xf32, #tpu.memory_space<vmem>>, vector<16xf32>,
      %add3A_139 = arith.addf %add3A_132, %get3A_138 : vector<16xf32>
      %mul3A_140 = arith.constant 16 : i32
      %mul3A_141 = arith.muli %scan3A_120, %mul3A_140 : i32
      %add3A_142 = arith.constant 6147 : i32
      %add3A_143 = arith.addi %add3A_142, %mul3A_141 : i32
      %get3A_144 = arith.index_cast %add3A_143 : i32 to index
      %get3A_145 = tpu.vector_load %arg11[%get3A_144] {strides = array<i32>} : memref<32784xf32, #tpu.memory_space<vmem>>, vector<16xf32>,
      %add3A_146 = arith.addf %add3A_139, %get3A_145 : vector<16xf32>
      %mul3A_147 = arith.constant 16 : i32
      %mul3A_148 = arith.muli %scan3A_120, %mul3A_147 : i32
      %add3A_149 = arith.constant 8196 : i32
      %add3A_150 = arith.addi %add3A_149, %mul3A_148 : i32
      %get3A_151 = arith.index_cast %add3A_150 : i32 to index
      %get3A_152 = tpu.vector_load %arg11[%get3A_151] {strides = array<i32>} : memref<32784xf32, #tpu.memory_space<vmem>>, vector<16xf32>,
      %add3A_153 = arith.addf %add3A_146, %get3A_152 : vector<16xf32>
      %mul3A_154 = arith.constant 16 : i32
      %mul3A_155 = arith.muli %scan3A_120, %mul3A_154 : i32
      %add3A_156 = arith.constant 10245 : i32
      %add3A_157 = arith.addi %add3A_156, %mul3A_155 : i32
      %get3A_158 = arith.index_cast %add3A_157 : i32 to index
      %get3A_159 = tpu.vector_load %arg11[%get3A_158] {strides = array<i32>} : memref<32784xf32, #tpu.memory_space<vmem>>, vector<16xf32>,
      %add3A_160 = arith.addf %add3A_153, %get3A_159 : vector<16xf32>
      %mul3A_161 = arith.constant 16 : i32
      %mul3A_162 = arith.muli %scan3A_120, %mul3A_161 : i32
      %add3A_163 = arith.constant 12294 : i32
      %add3A_164 = arith.addi %add3A_163, %mul3A_162 : i32
      %get3A_165 = arith.index_cast %add3A_164 : i32 to index
      %get3A_166 = tpu.vector_load %arg11[%get3A_165] {strides = array<i32>} : memref<32784xf32, #tpu.memory_space<vmem>>, vector<16xf32>,
      %add3A_167 = arith.addf %add3A_160, %get3A_166 : vector<16xf32>
      %mul3A_168 = arith.constant 16 : i32
      %mul3A_169 = arith.muli %scan3A_120, %mul3A_168 : i32
      %add3A_170 = arith.constant 14343 : i32
      %add3A_171 = arith.addi %add3A_170, %mul3A_169 : i32
      %get3A_172 = arith.index_cast %add3A_171 : i32 to index
      %get3A_173 = tpu.vector_load %arg11[%get3A_172] {strides = array<i32>} : memref<32784xf32, #tpu.memory_space<vmem>>, vector<16xf32>,
      %add3A_174 = arith.addf %add3A_167, %get3A_173 : vector<16xf32>
      %mul3A_175 = arith.constant 16 : i32
      %mul3A_176 = arith.muli %scan3A_120, %mul3A_175 : i32
      %add3A_177 = arith.constant 16392 : i32
      %add3A_178 = arith.addi %add3A_177, %mul3A_176 : i32
      %get3A_179 = arith.index_cast %add3A_178 : i32 to index
      %get3A_180 = tpu.vector_load %arg11[%get3A_179] {strides = array<i32>} : memref<32784xf32, #tpu.memory_space<vmem>>, vector<16xf32>,
      %add3A_181 = arith.addf %add3A_174, %get3A_180 : vector<16xf32>
      %mul3A_182 = arith.constant 16 : i32
      %mul3A_183 = arith.muli %scan3A_120, %mul3A_182 : i32
      %add3A_184 = arith.constant 18441 : i32
      %add3A_185 = arith.addi %add3A_184, %mul3A_183 : i32
      %get3A_186 = arith.index_cast %add3A_185 : i32 to index
      %get3A_187 = tpu.vector_load %arg11[%get3A_186] {strides = array<i32>} : memref<32784xf32, #tpu.memory_space<vmem>>, vector<16xf32>,
      %add3A_188 = arith.addf %add3A_181, %get3A_187 : vector<16xf32>
      %mul3A_189 = arith.constant 16 : i32
      %mul3A_190 = arith.muli %scan3A_120, %mul3A_189 : i32
      %add3A_191 = arith.constant 20490 : i32
      %add3A_192 = arith.addi %add3A_191, %mul3A_190 : i32
      %get3A_193 = arith.index_cast %add3A_192 : i32 to index
      %get3A_194 = tpu.vector_load %arg11[%get3A_193] {strides = array<i32>} : memref<32784xf32, #tpu.memory_space<vmem>>, vector<16xf32>,
      %add3A_195 = arith.addf %add3A_188, %get3A_194 : vector<16xf32>
      %mul3A_196 = arith.constant 16 : i32
      %mul3A_197 = arith.muli %scan3A_120, %mul3A_196 : i32
      %add3A_198 = arith.constant 22539 : i32
      %add3A_199 = arith.addi %add3A_198, %mul3A_197 : i32
      %get3A_200 = arith.index_cast %add3A_199 : i32 to index
      %get3A_201 = tpu.vector_load %arg11[%get3A_200] {strides = array<i32>} : memref<32784xf32, #tpu.memory_space<vmem>>, vector<16xf32>,
      %add3A_202 = arith.addf %add3A_195, %get3A_201 : vector<16xf32>
      %mul3A_203 = arith.constant 16 : i32
      %mul3A_204 = arith.muli %scan3A_120, %mul3A_203 : i32
      %add3A_205 = arith.constant 24588 : i32
      %add3A_206 = arith.addi %add3A_205, %mul3A_204 : i32
      %get3A_207 = arith.index_cast %add3A_206 : i32 to index
      %get3A_208 = tpu.vector_load %arg11[%get3A_207] {strides = array<i32>} : memref<32784xf32, #tpu.memory_space<vmem>>, vector<16xf32>,
      %add3A_209 = arith.addf %add3A_202, %get3A_208 : vector<16xf32>
      %mul3A_210 = arith.constant 16 : i32
      %mul3A_211 = arith.muli %scan3A_120, %mul3A_210 : i32
      %add3A_212 = arith.constant 26637 : i32
      %add3A_213 = arith.addi %add3A_212, %mul3A_211 : i32
      %get3A_214 = arith.index_cast %add3A_213 : i32 to index
      %get3A_215 = tpu.vector_load %arg11[%get3A_214] {strides = array<i32>} : memref<32784xf32, #tpu.memory_space<vmem>>, vector<16xf32>,
      %add3A_216 = arith.addf %add3A_209, %get3A_215 : vector<16xf32>
      %mul3A_217 = arith.constant 16 : i32
      %mul3A_218 = arith.muli %scan3A_120, %mul3A_217 : i32
      %add3A_219 = arith.constant 28686 : i32
      %add3A_220 = arith.addi %add3A_219, %mul3A_218 : i32
      %get3A_221 = arith.index_cast %add3A_220 : i32 to index
      %get3A_222 = tpu.vector_load %arg11[%get3A_221] {strides = array<i32>} : memref<32784xf32, #tpu.memory_space<vmem>>, vector<16xf32>,
      %add3A_223 = arith.addf %add3A_216, %get3A_222 : vector<16xf32>
      %mul3A_224 = arith.constant 16 : i32
      %mul3A_225 = arith.muli %scan3A_120, %mul3A_224 : i32
      %add3A_226 = arith.constant 30735 : i32
      %add3A_227 = arith.addi %add3A_226, %mul3A_225 : i32
      %get3A_228 = arith.index_cast %add3A_227 : i32 to index
      %get3A_229 = tpu.vector_load %arg11[%get3A_228] {strides = array<i32>} : memref<32784xf32, #tpu.memory_space<vmem>>, vector<16xf32>,
      %add3A_230 = arith.addf %add3A_223, %get3A_229 : vector<16xf32>
      %mul3A_231 = arith.constant 16 : i32
      %mul3A_232 = arith.muli %scan3A_120, %mul3A_231 : i32
      %get3A_233 = arith.index_cast %mul3A_232 : i32 to index
      %get3A_234 = tpu.vector_load %arg18[%get3A_233] {strides = array<i32>} : memref<2048xf32, #tpu.memory_space<vmem>>, vector<16xf32>,
      %sub3A_235 = arith.subf %add3A_230, %get3A_234 : vector<16xf32>
      %mul3A_236 = arith.constant 16 : i32
      %mul3A_237 = arith.muli %scan3A_120, %mul3A_236 : i32
      %get3A_238 = arith.index_cast %mul3A_237 : i32 to index
      %get3A_239 = tpu.vector_load %arg19[%get3A_238] {strides = array<i32>} : memref<2048xi32, #tpu.memory_space<vmem>>, vector<16xi32>,
      %eq3A = arith.constant 1 : i32
      %eq3A_240 = vector.broadcast %eq3A : i32 to vector<16xi32>
      %eq3A_241 = arith.cmpi eq, %get3A_239, %eq3A_240 : vector<16xi32>
      %max3A = arith.constant 0.000000e+00 : f32
      %max3A_242 = vector.broadcast %max3A : f32 to vector<16xf32>
      %max3A_243 = arith.maximumf %sub3A_235, %max3A_242 : vector<16xf32>
      %eq3A_244 = arith.constant 2 : i32
      %eq3A_245 = vector.broadcast %eq3A_244 : i32 to vector<16xi32>
      %eq3A_246 = arith.cmpi eq, %get3A_239, %eq3A_245 : vector<16xi32>
      %neg3A = arith.constant 0.000000e+00 : f32
      %neg3A_247 = vector.broadcast %neg3A : f32 to vector<16xf32>
      %neg3A_248 = arith.subf %neg3A_247, %sub3A_235 : vector<16xf32>
      %max3A_249 = arith.constant 0.000000e+00 : f32
      %max3A_250 = vector.broadcast %max3A_249 : f32 to vector<16xf32>
      %max3A_251 = arith.maximumf %neg3A_248, %max3A_250 : vector<16xf32>
      %eq3A_252 = arith.constant 3 : i32
      %eq3A_253 = vector.broadcast %eq3A_252 : i32 to vector<16xi32>
      %eq3A_254 = arith.cmpi eq, %get3A_239, %eq3A_253 : vector<16xi32>
      %abs3A = math.absf %sub3A_235 : vector<16xf32>
      %broadcast_in_dim3A_255 = arith.constant 0.000000e+00 : f32
      %broadcast_in_dim3A_256 = vector.broadcast %broadcast_in_dim3A_255 : f32 to vector<16xf32>
      %select_n3A_257 = arith.select %eq3A_254, %abs3A, %broadcast_in_dim3A_256 : vector<16xi1>, vector<16xf32>
      %select_n3A_258 = arith.select %eq3A_246, %max3A_251, %select_n3A_257 : vector<16xi1>, vector<16xf32>
      %select_n3A_259 = arith.select %eq3A_241, %max3A_243, %select_n3A_258 : vector<16xi1>, vector<16xf32>
      %add3A_260 = arith.addf %scan3A_121, %select_n3A_259 : vector<16xf32>
      scf.yield %add3A_260 : vector<16xf32>
    }
    %scan3A_90 = arith.constant 128 : i32
    %swap3A = arith.constant 0 : index
    %swap3A_91 = tpu.vector_load %arg21[%swap3A] {strides = array<i32>} : memref<128xf32, #tpu.memory_space<vmem>>, vector<16xf32>,
    tpu.vector_store %arg21[%swap3A], %scan3A_89 {strides = array<i32>} : memref<128xf32, #tpu.memory_space<vmem>>, vector<16xf32>,
    %broadcast_in_dim3A_92 = arith.constant 0.000000e+00 : f32
    %broadcast_in_dim3A_93 = vector.broadcast %broadcast_in_dim3A_92 : f32 to vector<16xf32>
    %swap3A_94 = arith.constant 16 : index
    %swap3A_95 = tpu.vector_load %arg21[%swap3A_94] {strides = array<i32>} : memref<128xf32, #tpu.memory_space<vmem>>, vector<16xf32>,
    tpu.vector_store %arg21[%swap3A_94], %broadcast_in_dim3A_93 {strides = array<i32>} : memref<128xf32, #tpu.memory_space<vmem>>, vector<16xf32>,
    %broadcast_in_dim3A_96 = arith.constant 0.000000e+00 : f32
    %broadcast_in_dim3A_97 = vector.broadcast %broadcast_in_dim3A_96 : f32 to vector<16xf32>
    %swap3A_98 = arith.constant 32 : index
    %swap3A_99 = tpu.vector_load %arg21[%swap3A_98] {strides = array<i32>} : memref<128xf32, #tpu.memory_space<vmem>>, vector<16xf32>,
    tpu.vector_store %arg21[%swap3A_98], %broadcast_in_dim3A_97 {strides = array<i32>} : memref<128xf32, #tpu.memory_space<vmem>>, vector<16xf32>,
    %broadcast_in_dim3A_100 = arith.constant 0.000000e+00 : f32
    %broadcast_in_dim3A_101 = vector.broadcast %broadcast_in_dim3A_100 : f32 to vector<16xf32>
    %swap3A_102 = arith.constant 48 : index
    %swap3A_103 = tpu.vector_load %arg21[%swap3A_102] {strides = array<i32>} : memref<128xf32, #tpu.memory_space<vmem>>, vector<16xf32>,
    tpu.vector_store %arg21[%swap3A_102], %broadcast_in_dim3A_101 {strides = array<i32>} : memref<128xf32, #tpu.memory_space<vmem>>, vector<16xf32>,
    %broadcast_in_dim3A_104 = arith.constant 0.000000e+00 : f32
    %broadcast_in_dim3A_105 = vector.broadcast %broadcast_in_dim3A_104 : f32 to vector<16xf32>
    %swap3A_106 = arith.constant 64 : index
    %swap3A_107 = tpu.vector_load %arg21[%swap3A_106] {strides = array<i32>} : memref<128xf32, #tpu.memory_space<vmem>>, vector<16xf32>,
    tpu.vector_store %arg21[%swap3A_106], %broadcast_in_dim3A_105 {strides = array<i32>} : memref<128xf32, #tpu.memory_space<vmem>>, vector<16xf32>,
    %broadcast_in_dim3A_108 = arith.constant 0.000000e+00 : f32
    %broadcast_in_dim3A_109 = vector.broadcast %broadcast_in_dim3A_108 : f32 to vector<16xf32>
    %swap3A_110 = arith.constant 80 : index
    %swap3A_111 = tpu.vector_load %arg21[%swap3A_110] {strides = array<i32>} : memref<128xf32, #tpu.memory_space<vmem>>, vector<16xf32>,
    tpu.vector_store %arg21[%swap3A_110], %broadcast_in_dim3A_109 {strides = array<i32>} : memref<128xf32, #tpu.memory_space<vmem>>, vector<16xf32>,
    %broadcast_in_dim3A_112 = arith.constant 0.000000e+00 : f32
    %broadcast_in_dim3A_113 = vector.broadcast %broadcast_in_dim3A_112 : f32 to vector<16xf32>
    %swap3A_114 = arith.constant 96 : index
    %swap3A_115 = tpu.vector_load %arg21[%swap3A_114] {strides = array<i32>} : memref<128xf32, #tpu.memory_space<vmem>>, vector<16xf32>,
    tpu.vector_store %arg21[%swap3A_114], %broadcast_in_dim3A_113 {strides = array<i32>} : memref<128xf32, #tpu.memory_space<vmem>>, vector<16xf32>,
    %broadcast_in_dim3A_116 = arith.constant 0.000000e+00 : f32
    %broadcast_in_dim3A_117 = vector.broadcast %broadcast_in_dim3A_116 : f32 to vector<16xf32>
    %swap3A_118 = arith.constant 112 : index
    %swap3A_119 = tpu.vector_load %arg21[%swap3A_118] {strides = array<i32>} : memref<128xf32, #tpu.memory_space<vmem>>, vector<16xf32>,
    tpu.vector_store %arg21[%swap3A_118], %broadcast_in_dim3A_117 {strides = array<i32>} : memref<128xf32, #tpu.memory_space<vmem>>, vector<16xf32>,
    "tpu.region"() ({
      %run_scoped3A = tpu.sem_alloc : memref<!tpu.dma_semaphore, #tpu.memory_space<semaphore_mem>>
      %dma_start3A = arith.constant 0 : i32
      %dma_start3A_120 = tpu.memref_slice %arg9[%add3A, %dma_start3A] : memref<32x128xf32, #tpu.memory_space<hbm>> -> memref<1x128xf32, #tpu.memory_space<hbm>>
      %dma_start3A_121 = tpu.memref_squeeze %dma_start3A_120 : memref<1x128xf32, #tpu.memory_space<hbm>> -> memref<128xf32, #tpu.memory_space<hbm>>
      %dma_start3A_122 = arith.constant 0 : i32
      %dma_start3A_123 = tpu.memref_slice %arg9[%add3A, %dma_start3A_122] : memref<32x128xf32, #tpu.memory_space<hbm>> -> memref<1x128xf32, #tpu.memory_space<hbm>>
      %dma_start3A_124 = tpu.memref_squeeze %dma_start3A_123 : memref<1x128xf32, #tpu.memory_space<hbm>> -> memref<128xf32, #tpu.memory_space<hbm>>
      tpu.enqueue_dma source(%arg21 : memref<128xf32, #tpu.memory_space<vmem>>) target(%dma_start3A_124 : memref<128xf32, #tpu.memory_space<hbm>>) target_semaphore(%run_scoped3A : memref<!tpu.dma_semaphore, #tpu.memory_space<semaphore_mem>>)
      %dma_wait3A = arith.constant 0 : i32
      %dma_wait3A_125 = tpu.memref_slice %arg9[%add3A, %dma_wait3A] : memref<32x128xf32, #tpu.memory_space<hbm>> -> memref<1x128xf32, #tpu.memory_space<hbm>>
      %dma_wait3A_126 = tpu.memref_squeeze %dma_wait3A_125 : memref<1x128xf32, #tpu.memory_space<hbm>> -> memref<128xf32, #tpu.memory_space<hbm>>
      %dma_wait3A_127 = arith.constant 0 : i32
      %dma_wait3A_128 = tpu.memref_slice %arg9[%add3A, %dma_wait3A_127] : memref<32x128xf32, #tpu.memory_space<hbm>> -> memref<1x128xf32, #tpu.memory_space<hbm>>
      %dma_wait3A_129 = tpu.memref_squeeze %dma_wait3A_128 : memref<1x128xf32, #tpu.memory_space<hbm>> -> memref<128xf32, #tpu.memory_space<hbm>>
      tpu.wait_dma2 semaphore(%run_scoped3A : memref<!tpu.dma_semaphore, #tpu.memory_space<semaphore_mem>>) src(%arg21 : memref<128xf32, #tpu.memory_space<vmem>>) dst(%dma_wait3A_129 : memref<128xf32, #tpu.memory_space<hbm>>)
      tpu.yield
    }) : () -> ()
    return
  }
}

</mosaic_0001>

<sc_bundles>
// kernel: kernel.3.cloned.1.call-start
scs
__scs_entry_jumppad:
0x0: {  	(pc) =	sbr.rel $0x88, $3  }
0x1: {  	(tag) =	ssettag $0x0;
	lr =	simm.s32 $0x1  }
0x2: {  	[smem:$0x3F9B] =	sst lr;
	_ =	strace $0xD0000000  }
0x3: {  	_ = 	snop  }
0x4: {  	_ = 	snop  }
0x5: {  	_ = 	snop  }
0x6: {  	_ = 	snop  }
0x7: {  	_ = 	snop  }
__scs_overlays_trampoline_lowered:
0x8: {  	[smem:$0x3FAA] =	sst s0  }
0x9: {  	[smem:$0x3FAB] =	sst s1  }
0xa: {  	[smem:$0x3FAC] =	sst s2  }
0xb: {  	[smem:$0x3FAD] =	sst s3  }
0xc: {  	[smem:$0x3FAE] =	sst s4  }
0xd: {  	[smem:$0x3FAF] =	sst s5  }
0xe: {  	[smem:$0x3FB0] =	sst s6  }
0xf: {  	[smem:$0x3FB1] =	sst s7  }
0x10: {  	[smem:$0x3FB2] =	sst s8  }
0x11: {  	[smem:$0x3FB3] =	sst s9;
	s0 =	simm.s32 @!p0 $0x0  }
0x12: {  	s1 =	sld [smem:$0x3F99];
	s0 =	simm.s32 @p0 $0x1  }
0x13: {  	[smem:$0x3FB4] =	sst s0;
	s0 =	simm.s32 @!p1 $0x0  }
0x14: {  	s2 =	sld [smem:$0x3F98];
	s0 =	simm.s32 @p1 $0x1  }
0x15: {  	[smem:$0x3FB5] =	sst s0;
	s0 =	simm.s32 @!p2 $0x0  }
0x16: {  	s3 =	sld [smem:$0x3FDB];
	s0 =	simm.s32 @p2 $0x1  }
0x17: {  	s4 =	simm.s32 $0x1BF5;
	[smem:$0x3FB7] =	sst s0  }
0x18: {  	s0 =	sld [smem:$0x3F9A];
	_ =	swait.ge [sflag:s4], $0x0  }
0x19: {  	s7 =	sld [smem:$0x3F9B]  }
0x1a: {  	s8 =	sadd.s32 $0xFFFFE003, lr  }
0x1b: {  	s9 =	sadd.s32 $0xFFFFFEF7, lr;
	s5 =	simm.s32 $0xFFFFFFFF;
	p2 =	slt.u32 s8, $0xFFFFF086  }
0x1c: {  	p1 =	slt.u32 s9, $0xF7A;
	s5 =	simm.s32 @!p2 $0x0  }
0x1d: {  	s5 =	simm.s32 @p1 $0x1;
	p0 =	seq.s32 s7, s2  }
0x1e: {  	s7 =	smul.u32 @!p0 $0xF7A, s2;
	p2 =	seq.s32 @!p0 s5, $0x0  }
0x1f: {  	s9 =	smul.u32 $0xF7A, s1;
	s8 =	simm.s32 @!p0 $0x1BF5;
	p2 =	por !p2, p0  }
0x20: {  	[sflag:s8] =	ssyncset.s32 @!p0 $0xFFFFF086;
	s6 =	sadd.s32 @!p0 s3, s7;
	s7 =	simm.s32 @!p0 $0x108  }
0x21: {  	s3 =	sadd.s32 s3, s9;
	s6 =	sadd.s32 @!p0 $0x88, s6;
	s7 =	simm.s32 @p2 $0x1082  }
0x22: {  	[simem:s7], [sflag:s8] =	dma.local @!p0 [hbm:s6], $0xF7A  }
0x23: {  	s9 =	sor.u32 $0xD0000000, s2;
	s6 =	simm.s32 $0x108;
	_ =	swait.ge @!p0 [sflag:s8], $0x0  }
0x24: {  	s3 =	sadd.s32 $0x88, s3;
	s6 =	simm.s32 @!p1 $0x1082;
	[sflag:s4] =	ssyncset.s32 $0xFFFFF086  }
0x25: {  	[simem:s6], [sflag:s4] =	dma.local [hbm:s3], $0xF7A  }
0x26: {  	[smem:$0x3F9B] =	sst s1;
	(tag) =	ssettag s2;
	_ =	strace s9  }
0x27: {  	s1 =	sld [smem:$0x3FAB]  }
0x28: {  	s2 =	sld [smem:$0x3FAC]  }
0x29: {  	s4 =	sld [smem:$0x3FAE]  }
0x2a: {  	p0 =	seq.s32 s5, $0x0;
	s5 =	sld [smem:$0x3FAF]  }
0x2b: {  	s6 =	sld [smem:$0x3FB0]  }
0x2c: {  	s7 =	sld [smem:$0x3FB1]  }
0x2d: {  	s3 =	simm.s32 $0x108;
	s8 =	sld [smem:$0x3FB2]  }
0x2e: {  	s3 =	simm.s32 @!p0 $0x1082;
	s9 =	sld [smem:$0x3FB3]  }
0x2f: {  	lr =	sadd.s32 s0, s3;
	s0 =	sld [smem:$0x3FAA]  }
0x30: {  	s3 =	sld [smem:$0x3FAD]  }
0x31: {  	[smem:$0x3FB6] =	sst s10  }
0x32: {  	s10 =	sld [smem:$0x3FB4];
	_ =	sdelay $0x3  }
0x33: {  	p0 =	seq.s32 s10, $0x1;
	s10 =	sld [smem:$0x3FB6];
	_ =	sdelay $0x3  }
0x34: {  	[smem:$0x3FB6] =	sst s10  }
0x35: {  	s10 =	sld [smem:$0x3FB5];
	_ =	sdelay $0x3  }
0x36: {  	p1 =	seq.s32 s10, $0x1;
	s10 =	sld [smem:$0x3FB6];
	_ =	sdelay $0x3  }
0x37: {  	[smem:$0x3FB6] =	sst s10  }
0x38: {  	s10 =	sld [smem:$0x3FB7]  }
0x39: {  	_ = 	snop;
	(pc) =	sbr.ind lr, $3  }
0x3a: {  	_ = 	snop  }
0x3b: {  	_ = 	snop  }
0x3c: {  	p2 =	seq.s32 s10, $0x1;
	s10 =	sld [smem:$0x3FB6]  }
0x3d: {  	_ =	shalt  }
0x3e: {  	_ =	shalt  }
0x3f: {  	_ =	shalt  }
0x40: {  	_ =	shalt  }
0x41: {  	_ =	shalt  }
0x42: {  	_ =	shalt  }
0x43: {  	_ =	shalt  }
0x44: {  	_ =	shalt  }
0x45: {  	_ =	shalt  }
0x46: {  	_ =	shalt  }
0x47: {  	_ =	shalt  }
0x48: {  	_ =	shalt  }
0x49: {  	_ =	shalt  }
0x4a: {  	_ =	shalt  }
0x4b: {  	_ =	shalt  }
0x4c: {  	_ =	shalt  }
0x4d: {  	_ =	shalt  }
0x4e: {  	_ =	shalt  }
0x4f: {  	_ =	shalt  }
0x50: {  	_ =	shalt  }
0x51: {  	_ =	shalt  }
0x52: {  	_ =	shalt  }
0x53: {  	_ =	shalt  }
0x54: {  	_ =	shalt  }
0x55: {  	_ =	shalt  }
0x56: {  	_ =	shalt  }
0x57: {  	_ =	shalt  }
0x58: {  	_ =	shalt  }
0x59: {  	_ =	shalt  }
0x5a: {  	_ =	shalt  }
0x5b: {  	_ =	shalt  }
0x5c: {  	_ =	shalt  }
0x5d: {  	_ =	shalt  }
0x5e: {  	_ =	shalt  }
0x5f: {  	_ =	shalt  }
0x60: {  	_ =	shalt  }
0x61: {  	_ =	shalt  }
0x62: {  	_ =	shalt  }
0x63: {  	_ =	shalt  }
0x64: {  	_ =	shalt  }
0x65: {  	_ =	shalt  }
0x66: {  	_ =	shalt  }
0x67: {  	_ =	shalt  }
0x68: {  	_ =	shalt  }
0x69: {  	_ =	shalt  }
0x6a: {  	_ =	shalt  }
0x6b: {  	_ =	shalt  }
0x6c: {  	_ =	shalt  }
0x6d: {  	_ =	shalt  }
0x6e: {  	_ =	shalt  }
0x6f: {  	_ =	shalt  }
0x70: {  	_ =	shalt  }
0x71: {  	_ =	shalt  }
0x72: {  	_ =	shalt  }
0x73: {  	_ =	shalt  }
0x74: {  	_ =	shalt  }
0x75: {  	_ =	shalt  }
0x76: {  	_ =	shalt  }
0x77: {  	_ =	shalt  }
0x78: {  	_ =	shalt  }
0x79: {  	_ =	shalt  }
0x7a: {  	_ =	shalt  }
0x7b: {  	_ =	shalt  }
0x7c: {  	_ =	shalt  }
0x7d: {  	_ =	shalt  }
0x7e: {  	_ =	shalt  }
0x7f: {  	_ =	shalt  }
0x80: {  	_ =	shalt  }
0x81: {  	_ =	shalt  }
0x82: {  	_ =	shalt  }
0x83: {  	_ =	shalt  }
0x84: {  	_ =	shalt  }
0x85: {  	_ =	shalt  }
0x86: {  	_ =	shalt  }
0x87: {  	_ =	shalt  }
.Lfunc_end0:
.L_simem_size_0:
called_computation_lowered:
.L_overlay_start_0:
0x88: {  	s2 =	sld [smem:$0x3FD9]  }
0x89: {  	s3 =	sld [smem:$0x3FFE];
	_ =	sdelay $0x1  }
0x8a: {  	s1 =	srdreg.scid  }
0x8b: {  	s0 =	sand.u32 $0x1, s1  }
0x8c: {  	s17 =	sshll.u32 s0, $0xA;
	s2 =	sadd.s32 s3, s2  }
0x8d: {  	s2 =	sadd.s32 s2, s17  }
0x8e: {  	[smem:$0x3FC2] =	sst s2  }
0x8f: {  	_ = 	snop  }
0x90: {  	s2 =	sld [smem:$0x3FC9]  }
0x91: {  	s18 =	sld [smem:$0x3FC8]  }
0x92: {  	s4 =	sld [smem:$0x3FC7]  }
0x93: {  	s5 =	sld [smem:$0x3FC6]  }
0x94: {  	s6 =	sld [smem:$0x3FC5]  }
0x95: {  	s7 =	sld [smem:$0x3FC4]  }
0x96: {  	s8 =	sld [smem:$0x3FD0];
	(tm) =	ssettm $0x1  }
0x97: {  	s9 =	sld [smem:$0x3FFB];
	_ =	sdelay $0x3  }
0x98: {  	_ =	strace s9  }
0x99: {  	s9 =	sld [smem:$0x3FFC];
	_ =	sdelay $0x3  }
0x9a: {  	_ =	strace s9  }
0x9b: {  	s9 =	sld [smem:$0x3FFD];
	_ =	sdelay $0x3  }
0x9c: {  	_ =	strace s9  }
0x9d: {  	_ =	strace $0x8FFFFFFF  }
0x9e: {  	s19 =	sld [smem:$0x3FDB];
	_ =	sdelay $0x1  }
0x9f: {  	s10 =	simm.s32 $_scs_section_size  }
0xa0: {  	s11 =	simm.s32 $_size__tile_overlayer_lowered;
	s12 =	simm.s32 $_tile_overlayer_lowered  }
0xa1: {  	s22 =	simm.s32 $0x1BFF;
	s21 =	sshll.u32 s12, $0x1;
	s9 =	sadd.s32 s10, s19  }
0xa2: {  	s13 =	simm.s32 $0x0;
	s20 =	sshll.u32 s11, $0x1;
	s11 =	sadd.s32 s21, s9  }
0xa3: {  	[timem:s13], [sflag:s22] =	dma.local [hbm:s11], s20  }
0xa4: {  	_ =	swait.ge [sflag:s22], s20  }
0xa5: {  	s10 =	ssub.s32 $0x0, s20;
	[sflag:s22] =	ssyncset.done $0x0  }
0xa6: {  	[sflag:s22] =	ssyncadd.s32 s10;
	_ =	sdelay $0x1  }
0xa7: {  	s23 =	simm.s32 $0x1B8B  }
0xa8: {  	_ =	swait.ge [sflag:s23], $0x1  }
0xa9: {  	[sflag:s23] =	ssyncset.done $0x0  }
0xaa: {  	s25 =	simm.s32 $0x1B8E;
	s24 =	sld [smem:$0x3FFE];
	[sflag:s23] =	ssyncadd.s32 $0xFFFFFFFF  }
0xab: {  	s26 =	simm.s32 $execute0_lowered;
	[smem:$0x3FD2] =	sst s25  }
0xac: {  	s11 =	sshll.u32 s26, $0x1;
	_ =	strace $0x80000046;
	[dreg:$0x1] =	wrdreg $0xFFFFFFFF  }
0xad: {  	s28 =	simm.s32 $_size_execute0_lowered;
	s9 =	sadd.s32 s9, s11;
	[dreg:$0x0] =	wrdreg $0x0  }
0xae: {  	s11 =	sshll.u32 s28, $0x1;
	[dreg:$0x2] =	wrdreg s9  }
0xaf: {  	[dreg:$0x3] =	wrdreg s11  }
0xb0: {  	[dreg:$0x4] =	wrdreg $0xC0  }
0xb1: {  	_ =	task [dreg:s13], $0x5FFFF  }
0xb2: {  	[dreg:$0x1] =	wrdreg $0xFFFFFFFF  }
0xb3: {  	[dreg:$0x0] =	wrdreg $0x60  }
0xb4: {  	[dreg:$0x2] =	wrdreg s2  }
0xb5: {  	[dreg:$0x3] =	wrdreg s18  }
0xb6: {  	[dreg:$0x4] =	wrdreg s4  }
0xb7: {  	[dreg:$0x5] =	wrdreg s5  }
0xb8: {  	[dreg:$0x6] =	wrdreg s6  }
0xb9: {  	[dreg:$0x7] =	wrdreg s7  }
0xba: {  	[dreg:$0x8] =	wrdreg s8  }
0xbb: {  	[dreg:$0x9] =	wrdreg s24  }
0xbc: {  	[dreg:$0xa] =	wrdreg $0x9  }
0xbd: {  	_ =	task.clear_ibuf [dreg:s13], $0xBFFFF;
	_ =	strace $0x90000046  }
0xbe: {  	s29 =	simm.s32 $0x9;
	_ =	strace $0x80000048  }
0xbf: {  	_ =	swait.ge [sflag:s29], $0x1  }
0xc0: {  	[sflag:s29] =	ssyncadd.s32 $0xFFFFFFFF  }
0xc1: {  	_ =	strace $0x90000048  }
0xc2: {  	_ =	sfence  }
0xc3: {  	s30 =	sld [smem:$0x0];
	_ =	sdelay $0x2  }
0xc4: {  	s31 =	sshll.u32 s1, $0xD;
	s1 =	sshrl.u32 s1, $0x2  }
0xc5: {  	s3 =	sand.u32 $0x4000, s31;
	s1 =	sadd.s32 s1, s30  }
0xc6: {  	s0 =	sor.u32 s3, s0;
	s1 =	sshll.u32 s1, $0x11  }
0xc7: {  	s0 =	sor.u32 s1, s0  }
0xc8: {  	s0 =	sadd.s32 $0x8F2B, s0  }
0xc9: {  	[sflag:s0] =	ssyncadd.remote.s32 $0x1  }
0xca: {  	_ =	sfence.sel $0xFFFF  }
0xcb: {  	[dreg:$0x0] =	wrdreg $0xFFFFFFFF;
	(pc) =	sbr.abs _section_cstart, $3  }
0xcc: {  	[dreg:$0x1] =	wrdreg $0xFFFFFFFF  }
0xcd: {  	_ =	task.clear_ibuf [dreg:s13], $0x2FFFF;
	_ =	strace $0x9FFFFFFF  }
0xce: {  	(tm) =	ssettm $0x7FFFFFFF  }
0xcf: {  	_ =	shalt  }
tec
execute0_lowered:
.L_overlay_start_1:
0x0: {  	(tag) =	ssettag $0x1  }
0x1: {  	s1 =	rddreg [dreg:$0x1]  }
0x2: {  	s3 =	rddreg [dreg:$0x2]  }
0x3: {  	s4 =	rddreg [dreg:$0x3]  }
0x4: {  	s2 =	rddreg [dreg:$0x4]  }
0x5: {  	s5 =	rddreg [dreg:$0x5]  }
0x6: {  	s6 =	rddreg [dreg:$0x6]  }
0x7: {  	s9 =	rddreg [dreg:$0x7];
	s8 =	srdreg.scid  }
0x8: {  	s0 =	stileid.u32;
	s7 =	simm.s32 $0x0;
	s14 =	simm.s32 $0x1C080  }
0x9: {  	s15 =	simm.s32 $0x1;
	s16 =	simm.s32 $0x10000;
	s17 =	simm.s32 $0x1B080  }
0xa: {  	s19 =	simm.s32 $0x1C100;
	s10 =	sand.u32 $0x1, s8;
	s29 =	sshll.u32 s0, $0x1  }
0xb: {  	s20 =	simm.s32 $0x0;
	[smem:$0x7FF] =	sst s7;
	s8 =	sor.u32 s10, s29  }
0xc: {  	_ =	strace $0x80000047;
	s10 =	ssub.s32 $0x2, s10;
	s11 =	sshll.u32 s8, $0x4  }
0xd: {  	v0 =	vlaneseq.u32;
	s30 =	sshrl.u32 s10, $0x1;
	s12 =	sshll.u32 s8, $0xB;
	s31 =	sshll.u32 s8, $0x8  }
0xe: {  	v1 =	vmul.u32 $0x801, v0;
	s11 =	sadd.s32 s11, s9;
	s13 =	ssub.s32 s10, s30;
	s18 =	ssub.s32 $0x0, s12  }
0xf: {  	s9 =	sadd.s32 s2, s31;
	s10 =	sadd.s32 s5, s31;
	s11 =	sadd.s32 $0x400, s11  }
0x10: {  	v2 =	vimm.f32 $0.0e+00;
	s12 =	smax.u32 s13, $0x1;
	s13 =	simm.s32 $0x2;
	v1 =	vadd.s32 s18, v1;
	s18 =	simm.s32 $0x1B880  }
.LBB2_1:
0x11: {  	s0 =	rddreg [dreg:$0x0]  }
0x12: {  	[tilespmem:s7], [sflag:$0x2] =	stream.linear.gather [hbm4b:s0+s7], $0x10000, $0x38;
	[tilespmem:$0x1C180] =	vst v63  }
0x13: {  	_ =	swait.ge [sflag:s13], $0x10000  }
0x14: {  	[sflag:s13] =	ssyncset.done $0x0  }
0x15: {  	[sflag:s13] =	ssyncadd.s32 $0xFFFF0000  }
0x16: {  	[tilespmem:s14], [sflag:$0x2] =	stream.linear.gather [hbm4b:s6+s7], $0x80, $0x38;
	[tilespmem:$0x1C180] =	vst v63  }
0x17: {  	_ =	swait.ge [sflag:s13], $0x80  }
0x18: {  	[sflag:s13] =	ssyncset.done $0x0  }
0x19: {  	s21 =	simm.s32 $0x0;
	[sflag:s13] =	ssyncadd.s32 $0xFFFFFF80  }
0x1a: {  	v6 =	vld [tilespmem:s21+$0x0]  }
0x1b: {  	v8 =	vld [tilespmem:s21+$0x10]  }
0x1c: {  	v7 =	vld [tilespmem:s21+$0x20]  }
0x1d: {  	v4 =	vld [tilespmem:s21+$0x30]  }
0x1e: {  	v5 =	vld [tilespmem:s21+$0x40]  }
0x1f: {  	v3 =	vld [tilespmem:s21+$0x50];
	v9 =	vsub.f32 $0.0e+00, v6  }
0x20: {  	s22 =	simm.s32 $0x200;
	v8 =	vsub.f32 $0.0e+00, v8;
	v6 =	vld [tilespmem:s21+$0x60]  }
.LBB2_2:
0x21: {  	p0 =	sne.s32 s22, $0x3FE00;
	v9 =	vmul.f32 $1.442695020e+00, v9;
	v7 =	vsub.f32 $0.0e+00, v7;
	v10 =	vld [tilespmem:s21+$0x70]  }
0x22: {  	v8 =	vmul.f32 $1.442695020e+00, v8;
	v4 =	vsub.f32 $0.0e+00, v4  }
0x23: {  	v7 =	vmul.f32 $1.442695020e+00, v7;
	v5 =	vsub.f32 $0.0e+00, v5;
	(erf) = vpow2.f32 v9  }
0x24: {  	v4 =	vmul.f32 $1.442695020e+00, v4;
	v3 =	vsub.f32 $0.0e+00, v3;
	(erf) = vpow2.f32 v8  }
0x25: {  	v5 =	vmul.f32 $1.442695020e+00, v5;
	v6 =	vsub.f32 $0.0e+00, v6;
	(erf) = vpow2.f32 v7  }
0x26: {  	v3 =	vmul.f32 $1.442695020e+00, v3;
	v7 =	vsub.f32 $0.0e+00, v10;
	(erf) = vpow2.f32 v4  }
0x27: {  	v4 =	vmul.f32 $1.442695020e+00, v6;
	(erf) = vpow2.f32 v5  }
0x28: {  	v5 =	vmul.f32 $1.442695020e+00, v7;
	(erf) = vpow2.f32 v3  }
0x29: {  	(erf) = vpow2.f32 v4  }
0x2a: {  	(erf) = vpow2.f32 v5;
	_ =	sdelay $0x1  }
0x2b: {  	v3 =	vpop (erf)  }
0x2c: {  	v6 =	vadd.f32 $1.000000000e+00, v3;
	v4 =	vpop (erf)  }
0x2d: {  	v7 =	vadd.f32 $1.000000000e+00, v4;
	v5 =	vpop (erf)  }
0x2e: {  	v8 =	vadd.f32 $1.000000000e+00, v5;
	(erf) = vrcp.f32 v6;
	v3 =	vpop (erf)  }
0x2f: {  	v6 =	vadd.f32 $1.000000000e+00, v3;
	(erf) = vrcp.f32 v7;
	v4 =	vpop (erf)  }
0x30: {  	v7 =	vadd.f32 $1.000000000e+00, v4;
	(erf) = vrcp.f32 v8;
	v5 =	vpop (erf)  }
0x31: {  	v5 =	vadd.f32 $1.000000000e+00, v5;
	(erf) = vrcp.f32 v6;
	v3 =	vpop (erf)  }
0x32: {  	v3 =	vadd.f32 $1.000000000e+00, v3;
	(erf) = vrcp.f32 v7;
	v4 =	vpop (erf)  }
0x33: {  	v4 =	vadd.f32 $1.000000000e+00, v4;
	(erf) = vrcp.f32 v5  }
0x34: {  	(erf) = vrcp.f32 v3  }
0x35: {  	(erf) = vrcp.f32 v4;
	_ =	sdelay $0x1  }
0x36: {  	v3 =	vpop (erf)  }
0x37: {  	s2 =	sshra.s32 s22, $0x2;
	[tilespmem:s21+$0x0] =	vst v3;
	v3 =	vpop (erf)  }
0x38: {  	v6 =	vld [tilespmem:s2+$0x0];
	[tilespmem:s21+$0x10] =	vst v3;
	v3 =	vpop (erf)  }
0x39: {  	v8 =	vld [tilespmem:s2+$0x10];
	[tilespmem:s21+$0x20] =	vst v3;
	v3 =	vpop (erf)  }
.Ltmp0:
0x3a: {  	v7 =	vld [tilespmem:s2+$0x20];
	[tilespmem:s21+$0x30] =	vst v3;
	v3 =	vpop (erf);
	(pc) =	sbr.rel @p0 .LBB2_2-.Ltmp0, $4  }
0x3b: {  	v4 =	vld [tilespmem:s2+$0x30];
	[tilespmem:s21+$0x40] =	vst v3;
	v3 =	vpop (erf)  }
0x3c: {  	v5 =	vld [tilespmem:s2+$0x40];
	[tilespmem:s21+$0x50] =	vst v3;
	v10 =	vpop (erf)  }
0x3d: {  	v9 =	vsub.f32 $0.0e+00, v6;
	v3 =	vld [tilespmem:s2+$0x50];
	[tilespmem:s21+$0x60] =	vst v10;
	v10 =	vpop (erf)  }
0x3e: {  	s22 =	sadd.s32 $0x200, s22;
	v8 =	vsub.f32 $0.0e+00, v8;
	v6 =	vld [tilespmem:s2+$0x60];
	[tilespmem:s21+$0x70] =	vst v10;
	s21 =	smov.u32 s2  }
0x3f: {  	v9 =	vmul.f32 $1.442695020e+00, v9  }
0x40: {  	v8 =	vmul.f32 $1.442695020e+00, v8  }
0x41: {  	v7 =	vsub.f32 $0.0e+00, v7;
	(erf) = vpow2.f32 v9  }
0x42: {  	v4 =	vsub.f32 $0.0e+00, v4;
	(erf) = vpow2.f32 v8  }
0x43: {  	v10 =	vld [tilespmem:s21+$0x70];
	v7 =	vmul.f32 $1.442695020e+00, v7;
	v5 =	vsub.f32 $0.0e+00, v5  }
0x44: {  	v4 =	vmul.f32 $1.442695020e+00, v4;
	v3 =	vsub.f32 $0.0e+00, v3  }
0x45: {  	v5 =	vmul.f32 $1.442695020e+00, v5;
	v6 =	vsub.f32 $0.0e+00, v6;
	(erf) = vpow2.f32 v7  }
0x46: {  	v3 =	vmul.f32 $1.442695020e+00, v3;
	(erf) = vpow2.f32 v4  }
0x47: {  	v4 =	vmul.f32 $1.442695020e+00, v6;
	(erf) = vpow2.f32 v5  }
0x48: {  	v7 =	vsub.f32 $0.0e+00, v10;
	_ =	sdelay $0x1  }
0x49: {  	v5 =	vmul.f32 $1.442695020e+00, v7;
	(erf) = vpow2.f32 v3;
	v3 =	vpop (erf)  }
0x4a: {  	(erf) = vpow2.f32 v4;
	v3 =	vadd.f32 $1.000000000e+00, v3;
	v4 =	vpop (erf)  }
0x4b: {  	(erf) = vpow2.f32 v5;
	v4 =	vadd.f32 $1.000000000e+00, v4;
	_ =	sdelay $0x1  }
0x4c: {  	v5 =	vpop (erf)  }
0x4d: {  	v5 =	vadd.f32 $1.000000000e+00, v5;
	(erf) = vrcp.f32 v3;
	v3 =	vpop (erf)  }
0x4e: {  	(erf) = vrcp.f32 v4;
	v3 =	vadd.f32 $1.000000000e+00, v3;
	v4 =	vpop (erf)  }
0x4f: {  	v4 =	vadd.f32 $1.000000000e+00, v4;
	_ =	sdelay $0x1  }
0x50: {  	(erf) = vrcp.f32 v5;
	v5 =	vpop (erf)  }
0x51: {  	v5 =	vadd.f32 $1.000000000e+00, v5;
	(erf) = vrcp.f32 v3;
	v3 =	vpop (erf)  }
0x52: {  	(erf) = vrcp.f32 v4;
	v3 =	vadd.f32 $1.000000000e+00, v3;
	v4 =	vpop (erf)  }
0x53: {  	(erf) = vrcp.f32 v5;
	v4 =	vadd.f32 $1.000000000e+00, v4  }
0x54: {  	(erf) = vrcp.f32 v3  }
0x55: {  	(erf) = vrcp.f32 v4;
	_ =	sdelay $0x1  }
0x56: {  	v3 =	vpop (erf)  }
0x57: {  	[tilespmem:s21+$0x0] =	vst v3;
	v3 =	vpop (erf)  }
0x58: {  	[tilespmem:s21+$0x10] =	vst v3;
	v3 =	vpop (erf)  }
0x59: {  	[tilespmem:s21+$0x20] =	vst v3;
	v3 =	vpop (erf)  }
0x5a: {  	[tilespmem:s21+$0x30] =	vst v3;
	v3 =	vpop (erf)  }
0x5b: {  	[tilespmem:s21+$0x40] =	vst v3;
	v3 =	vpop (erf)  }
0x5c: {  	[tilespmem:s21+$0x50] =	vst v3;
	v3 =	vpop (erf)  }
0x5d: {  	[tilespmem:s21+$0x60] =	vst v3;
	v3 =	vpop (erf)  }
0x5e: {  	[tilespmem:s21+$0x70] =	vst v3  }
0x5f: {  	v3 =	vld [tilespmem:s8+$0x1C080]  }
0x60: {  	s5 =	simm.s32 $0x40;
	s2 =	simm.s32 $0x0;
	v4 =	vld [tilespmem:s8+$0x1C081]  }
.LBB2_4:
0x61: {  	p0 =	sne.s32 s5, $0x20000;
	[tilespmem:s2+$0x10000] =	vst v2;
	s2 =	smov.u32 s5;
	s5 =	sadd.s32 $0x40, s5  }
.Ltmp1:
0x62: {  	(pc) =	sbr.rel @p0 .LBB2_4-.Ltmp1, $2  }
0x63: {  	_ =	sdelay $0x2  }
0x64: {  	s2 =	sshra.s32 s2, $0x2  }
0x65: {  	(v2sf) =	vpush v3, $0x0  }
0x66: {  	(v2sf) =	vpush v4, $0x0;
	_ =	sdelay $0xd  }
0x67: {  	s21 =	spop (v2sf)  }
0x68: {  	s22 =	spop (v2sf);
	s23 =	sand.u32 $0xFFFFFFF0, s21  }
0x69: {  	s5 =	ssub.s32 s22, s23  }
0x6a: {  	s5 =	sadd.s32 $0x7FF, s5  }
0x6b: {  	s24 =	sand.u32 $0x7FF, s5  }
0x6c: {  	s25 =	sshra.s32 s5, $0x1F;
	p0 =	slt.s32 s5, $0x1;
	p1 =	sne.s32 s24, $0x0  }
0x6d: {  	s28 =	sshrl.u32 s25, $0x15;
	p0 =	por !p0, !p1  }
0x6e: {  	s24 =	simm.s32 $0x1;
	s5 =	sadd.s32 s28, s5;
	p0 =	por !p0, !p0  }
0x6f: {  	s5 =	sshra.s32 s5, $0xB;
	s24 =	simm.s32 @!p0 $0x0  }
0x70: {  	s24 =	ssub.s32 s5, s24  }
0x71: {  	p0 =	slt.s32 s24, $0x1  }
0x72: {  	p1 =	slt.s32 @!p0 s23, $0x3FF800  }
0x73: {  	s5 =	smov.u32 s23;
	p1 =	por !p1, p0  }
0x74: {  	s5 =	simm.s32 @p1 $0x3FF800  }
0x75: {  	s29 =	sadd.s32 $0x1, s24;
	p5 =	slt.s32 s24, $0x0;
	s5 =	sshrl.u32 @!p0 s5, $0x3  }
0x76: {  	[tilespmem:s2+$0x10000] =	vst v2;
	s25 =	simm.s32 @!p0 $0x0;
	s26 =	simm.s32 @!p0 $0x18080;
	s2 =	sadd.s32 @!p0 s1, s5  }
0x77: {  	[tilespmem:s26], [sflag:$0x1] =	stream.linear.gather @!p0 [hbm4b:s2+s25], $0x800, $0x38;
	[tilespmem:$0x1C180] =	vst v63  }
0x78: {  	s30 =	sand.u32 $0x1, s29;
	s2 =	sadd.s32 @!p0 s3, s5;
	s26 =	simm.s32 @!p0 $0x19080  }
0x79: {  	[tilespmem:s26], [sflag:$0x1] =	stream.linear.gather @!p0 [hbm4b:s2+s25], $0x800, $0x38;
	[tilespmem:$0x1C180] =	vst v63  }
0x7a: {  	p6 =	seq.s32 s30, $0x1;
	s2 =	sadd.s32 @!p0 s4, s5;
	s5 =	simm.s32 @!p0 $0x1A080  }
0x7b: {  	[tilespmem:s5], [sflag:$0x1] =	stream.linear.gather @!p0 [hbm4b:s2+s25], $0x800, $0x38;
	[tilespmem:$0x1C180] =	vst v63  }
0x7c: {  	s31 =	sshrl.u32 s29, $0x1F;
	p0 =	por !p5, !p6  }
0x7d: {  	s2 =	sadd.s32 s31, s29;
	s5 =	simm.s32 $0x1;
	p0 =	por !p0, !p0  }
0x7e: {  	s2 =	sshra.s32 s2, $0x1;
	s5 =	simm.s32 @!p0 $0x0  }
0x7f: {  	s25 =	ssub.s32 s2, s5  }
0x80: {  	p0 =	slt.s32 s25, $0x1  }
.Ltmp2:
0x81: {  	_ = 	snop;
	(pc) =	sbr.rel @p0 .LBB2_17-.Ltmp2, $1  }
0x82: {  	_ =	sdelay $0x3  }
.Ltmp3:
0x83: {  	(pc) =	sbr.rel .LBB2_7-.Ltmp3, $2  }
0x84: {  	_ =	sdelay $0x2  }
0x85: {  	s26 =	sadd.s32 $0x800, s23;
	s28 =	simm.s32 $0x0;
	s29 =	smov.u32 s23  }
.LBB2_16:
0x86: {  	s28 =	sadd.s32 $0x1, s28  }
0x87: {  	p0 =	sne.s32 s28, s25  }
.Ltmp4:
0x88: {  	_ = 	snop;
	(pc) =	sbr.rel @!p0 .LBB2_17-.Ltmp4, $2  }
0x89: {  	_ =	sdelay $0x2  }
0x8a: {  	s29 =	sadd.s32 $0x1000, s29;
	s26 =	sadd.s32 $0x1000, s26  }
.LBB2_7:
0x8b: {  	_ =	swait.ge [sflag:s15], $0x800;
	s30 =	sshllo.u32 s28, $0x1  }
0x8c: {  	[sflag:s15] =	ssyncset.done $0x0;
	p0 =	sge.s32 s30, s24  }
0x8d: {  	[sflag:s15] =	ssyncadd.s32 $0xFFFFF800;
	s2 =	sshll.u32 @!p0 s30, $0xB  }
0x8e: {  	_ =	swait.ge [sflag:s15], $0x800;
	s2 =	sadd.s32 @!p0 s23, s2  }
0x8f: {  	[sflag:s15] =	ssyncset.done $0x0;
	p1 =	slt.s32 @!p0 s2, $0x3FF800  }
0x90: {  	[sflag:s15] =	ssyncadd.s32 $0xFFFFF800;
	p1 =	por !p1, p0  }
0x91: {  	_ =	swait.ge [sflag:s15], $0x800;
	s2 =	simm.s32 @p1 $0x3FF800  }
0x92: {  	s31 =	simm.s32 @!p0 $0x0;
	[sflag:s15] =	ssyncset.done $0x0;
	s2 =	sshrl.u32 @!p0 s2, $0x3  }
0x93: {  	s0 =	simm.s32 @!p0 $0x18880;
	[sflag:s15] =	ssyncadd.s32 $0xFFFFF800;
	s5 =	sadd.s32 @!p0 s1, s2  }
0x94: {  	[tilespmem:s0], [sflag:$0x1] =	stream.linear.gather @!p0 [hbm4b:s5+s31], $0x800, $0x38;
	[tilespmem:$0x1C180] =	vst v63  }
0x95: {  	s0 =	sadd.s32 @!p0 s3, s2;
	s5 =	simm.s32 @!p0 $0x19880  }
0x96: {  	[tilespmem:s5], [sflag:$0x1] =	stream.linear.gather @!p0 [hbm4b:s0+s31], $0x800, $0x38;
	[tilespmem:$0x1C180] =	vst v63  }
0x97: {  	s0 =	sadd.s32 @!p0 s4, s2;
	s2 =	simm.s32 @!p0 $0x1A880;
	s5 =	sshll.u32 s28, $0xC  }
0x98: {  	[tilespmem:s2], [sflag:$0x1] =	stream.linear.gather @!p0 [hbm4b:s0+s31], $0x800, $0x38;
	[tilespmem:$0x1C180] =	vst v63  }
0x99: {  	s2 =	sadd.s32 s23, s5  }
0x9a: {  	p1 =	slt.s32 s2, $0x3FF800  }
0x9b: {  	s0 =	smov.u32 s2;
	p2 =	sgt.s32 s21, s2;
	s5 =	sadd.s32 $0x800, s2  }
0x9c: {  	s0 =	simm.s32 @!p1 $0x3FF800;
	s2 =	smov.u32 @p2 s21;
	p1 =	slt.s32 s22, s5  }
0x9d: {  	s5 =	smov.u32 @p1 s22;
	p1 =	sne.s32 s2, s0;
	s0 =	sadd.s32 $0x800, s0  }
0x9e: {  	p2 =	seq.s32 @!p1 s5, s0  }
0x9f: {  	p1 =	por p1, !p2  }
.Ltmp5:
0xa0: {  	_ = 	snop;
	(pc) =	sbr.rel @p1 .LBB2_8-.Ltmp5, $2  }
0xa1: {  	_ =	sdelay $0x2  }
0xa2: {  	s31 =	simm.s32 $0x0  }
.LBB2_21:
0xa3: {  	s0 =	sshra.s32 s31, $0x2  }
0xa4: {  	v3 =	vld [tilespmem:s0+$0x19080];
	_ =	sdelay $0x4  }
0xa5: {  	v4 =	vld [tilespmem:s0+$0x18080];
	_ =	sdelay $0x1  }
0xa6: {  	v5 =	vld [tilespmem:s0+$0x1A080]  }
0xa7: {  	v3 =	vld.idx.msk [tilespmem:v3+s7+$0x0], $0xffff;
	_ =	sdelay $0x1  }
0xa8: {  	v4 =	vadd.s32 v4, v1;
	_ =	sdelay $0x2  }
0xa9: {  	v3 =	vmul.f32 v3, v5;
	_ =	sdelay $0x1  }
0xaa: {  	[tilespmem:v4+s16+$0x0] =	vst.idx.add.f32.msk $0xffff, v3  }
0xab: {  	v3 =	vld [tilespmem:s0+$0x19090];
	_ =	sdelay $0x4  }
0xac: {  	v4 =	vld [tilespmem:s0+$0x18090];
	_ =	sdelay $0x1  }
0xad: {  	v57 =	vld [tilespmem:s0+$0x1A090]  }
0xae: {  	v3 =	vld.idx.msk [tilespmem:v3+s7+$0x0], $0xffff;
	_ =	sdelay $0x1  }
0xaf: {  	v4 =	vadd.s32 v4, v1;
	_ =	sdelay $0x2  }
0xb0: {  	v3 =	vmul.f32 v3, v57;
	_ =	sdelay $0x1  }
0xb1: {  	[tilespmem:v4+s16+$0x0] =	vst.idx.add.f32.msk $0xffff, v3  }
0xb2: {  	v3 =	vld [tilespmem:s0+$0x190A0];
	_ =	sdelay $0x4  }
0xb3: {  	v4 =	vld [tilespmem:s0+$0x180A0];
	_ =	sdelay $0x1  }
0xb4: {  	v58 =	vld [tilespmem:s0+$0x1A0A0]  }
0xb5: {  	v3 =	vld.idx.msk [tilespmem:v3+s7+$0x0], $0xffff;
	_ =	sdelay $0x1  }
0xb6: {  	v4 =	vadd.s32 v4, v1;
	_ =	sdelay $0x2  }
0xb7: {  	v3 =	vmul.f32 v3, v58;
	_ =	sdelay $0x1  }
0xb8: {  	[tilespmem:v4+s16+$0x0] =	vst.idx.add.f32.msk $0xffff, v3  }
0xb9: {  	v3 =	vld [tilespmem:s0+$0x190B0];
	_ =	sdelay $0x4  }
0xba: {  	v4 =	vld [tilespmem:s0+$0x180B0];
	_ =	sdelay $0x1  }
0xbb: {  	v59 =	vld [tilespmem:s0+$0x1A0B0]  }
0xbc: {  	v3 =	vld.idx.msk [tilespmem:v3+s7+$0x0], $0xffff;
	_ =	sdelay $0x1  }
0xbd: {  	v4 =	vadd.s32 v4, v1;
	_ =	sdelay $0x2  }
0xbe: {  	v3 =	vmul.f32 v3, v59;
	_ =	sdelay $0x1  }
0xbf: {  	[tilespmem:v4+s16+$0x0] =	vst.idx.add.f32.msk $0xffff, v3  }
0xc0: {  	v3 =	vld [tilespmem:s0+$0x190C0];
	_ =	sdelay $0x4  }
0xc1: {  	v4 =	vld [tilespmem:s0+$0x180C0];
	_ =	sdelay $0x1  }
0xc2: {  	v60 =	vld [tilespmem:s0+$0x1A0C0]  }
0xc3: {  	v3 =	vld.idx.msk [tilespmem:v3+s7+$0x0], $0xffff;
	_ =	sdelay $0x1  }
0xc4: {  	v4 =	vadd.s32 v4, v1;
	_ =	sdelay $0x2  }
0xc5: {  	v3 =	vmul.f32 v3, v60;
	_ =	sdelay $0x1  }
0xc6: {  	[tilespmem:v4+s16+$0x0] =	vst.idx.add.f32.msk $0xffff, v3  }
0xc7: {  	v3 =	vld [tilespmem:s0+$0x190D0];
	_ =	sdelay $0x4  }
0xc8: {  	v4 =	vld [tilespmem:s0+$0x180D0];
	_ =	sdelay $0x1  }
0xc9: {  	v61 =	vld [tilespmem:s0+$0x1A0D0]  }
0xca: {  	v3 =	vld.idx.msk [tilespmem:v3+s7+$0x0], $0xffff;
	_ =	sdelay $0x1  }
0xcb: {  	v4 =	vadd.s32 v4, v1;
	_ =	sdelay $0x2  }
0xcc: {  	v3 =	vmul.f32 v3, v61;
	_ =	sdelay $0x1  }
0xcd: {  	[tilespmem:v4+s16+$0x0] =	vst.idx.add.f32.msk $0xffff, v3  }
0xce: {  	v3 =	vld [tilespmem:s0+$0x190E0];
	_ =	sdelay $0x4  }
0xcf: {  	v4 =	vld [tilespmem:s0+$0x180E0];
	_ =	sdelay $0x1  }
0xd0: {  	v62 =	vld [tilespmem:s0+$0x1A0E0]  }
0xd1: {  	v3 =	vld.idx.msk [tilespmem:v3+s7+$0x0], $0xffff;
	_ =	sdelay $0x1  }
0xd2: {  	v4 =	vadd.s32 v4, v1;
	_ =	sdelay $0x2  }
0xd3: {  	v3 =	vmul.f32 v3, v62;
	_ =	sdelay $0x1  }
0xd4: {  	[tilespmem:v4+s16+$0x0] =	vst.idx.add.f32.msk $0xffff, v3  }
0xd5: {  	v3 =	vld [tilespmem:s0+$0x190F0];
	_ =	sdelay $0x4  }
0xd6: {  	v4 =	vld [tilespmem:s0+$0x180F0];
	_ =	sdelay $0x1  }
0xd7: {  	v63 =	vld [tilespmem:s0+$0x1A0F0]  }
0xd8: {  	v3 =	vld.idx.msk [tilespmem:v3+s7+$0x0], $0xffff;
	_ =	sdelay $0x1  }
0xd9: {  	p1 =	seq.s32 s31, $0x1E00;
	v4 =	vadd.s32 v4, v1  }
.Ltmp6:
0xda: {  	_ = 	snop;
	(pc) =	sbr.rel @!p1 .LBB2_21-.Ltmp6, $3  }
0xdb: {  	_ = 	snop  }
0xdc: {  	v3 =	vmul.f32 v3, v63;
	_ =	sdelay $0x1  }
0xdd: {  	s31 =	sadd.s32 $0x200, s31;
	[tilespmem:v4+s16+$0x0] =	vst.idx.add.f32.msk $0xffff, v3  }
.Ltmp7:
0xde: {  	_ = 	snop;
	(pc) =	sbr.rel .LBB2_11-.Ltmp7, $1  }
0xdf: {  	_ =	sdelay $0x3  }
.LBB2_8:
0xe0: {  	p1 =	slt.s32 s29, $0x3FF800;
	s31 =	smov.u32 s29  }
0xe1: {  	v3 =	vmov s2;
	v4 =	vmov s5;
	s5 =	simm.s32 $0x0;
	s2 =	simm.s32 $0x40;
	s31 =	simm.s32 @!p1 $0x3FF800  }
.LBB2_9:
0xe2: {  	p1 =	sne.s32 s2, $0x1FC0;
	v5 =	vld [tilespmem:s5+$0x19080];
	v6 =	vor.u32 s31, v0  }
0xe3: {  	vm0 =	vge.s32 v6, v3;
	vm1 =	vlt.s32 v6, v4  }
0xe4: {  	vm0 =	vmand vm0, vm1;
	_ =	sdelay $0x2  }
0xe5: {  	v6 =	vld [tilespmem:s5+$0x18080];
	_ =	sdelay $0x2  }
0xe6: {  	v5 =	vld.idx.msk [tilespmem:v5+s7+$0x0], vm0  }
0xe7: {  	v7 =	vld [tilespmem:s5+$0x1A080]  }
0xe8: {  	v6 =	vadd.s32 v6, v1  }
0xe9: {  	v6 =	vnsel vm0, $0x0, v6  }
.Ltmp8:
0xea: {  	(pc) =	sbr.rel @p1 .LBB2_9-.Ltmp8, $3  }
0xeb: {  	_ = 	snop  }
0xec: {  	v5 =	vmul.f32 v5, v7;
	_ =	sdelay $0x1  }
0xed: {  	s31 =	sadd.s32 $0x10, s31;
	s5 =	sshra.s32 s2, $0x2;
	s2 =	sadd.s32 $0x40, s2;
	[tilespmem:v6+s16+$0x0] =	vst.idx.add.f32.msk vm0, v5  }
0xee: {  	v5 =	vld [tilespmem:s5+$0x19080];
	v6 =	vor.u32 s31, v0  }
0xef: {  	vm0 =	vge.s32 v6, v3;
	vm1 =	vlt.s32 v6, v4  }
0xf0: {  	vm0 =	vmand vm0, vm1;
	_ =	sdelay $0x1  }
0xf1: {  	v3 =	vld [tilespmem:s5+$0x18080];
	_ =	sdelay $0x2  }
0xf2: {  	v63 =	vld [tilespmem:s5+$0x1A080]  }
0xf3: {  	v62 =	vld.idx.msk [tilespmem:v5+s7+$0x0], vm0  }
0xf4: {  	v3 =	vadd.s32 v3, v1  }
0xf5: {  	v3 =	vnsel vm0, $0x0, v3;
	_ =	sdelay $0x2  }
0xf6: {  	v4 =	vmul.f32 v62, v63;
	_ =	sdelay $0x1  }
0xf7: {  	[tilespmem:v3+s16+$0x0] =	vst.idx.add.f32.msk vm0, v4  }
.LBB2_11:
.Ltmp9:
0xf8: {  	(pc) =	sbr.rel @p0 .LBB2_16-.Ltmp9, $1  }
0xf9: {  	_ =	sdelay $0x3  }
0xfa: {  	s0 =	sshll.u32 s28, $0x1  }
0xfb: {  	_ =	swait.ge [sflag:s15], $0x800;
	s0 =	sadd.s32 $0x2, s0  }
0xfc: {  	[sflag:s15] =	ssyncset.done $0x0;
	p0 =	sge.s32 s0, s24  }
0xfd: {  	[sflag:s15] =	ssyncadd.s32 $0xFFFFF800;
	s0 =	sshll.u32 @!p0 s0, $0xB  }
0xfe: {  	_ =	swait.ge [sflag:s15], $0x800;
	s0 =	sadd.s32 @!p0 s23, s0  }
0xff: {  	[sflag:s15] =	ssyncset.done $0x0;
	p1 =	slt.s32 @!p0 s0, $0x3FF800  }
0x100: {  	[sflag:s15] =	ssyncadd.s32 $0xFFFFF800;
	p1 =	por !p1, p0  }
0x101: {  	_ =	swait.ge [sflag:s15], $0x800;
	s0 =	simm.s32 @p1 $0x3FF800  }
0x102: {  	s5 =	simm.s32 @!p0 $0x0;
	[sflag:s15] =	ssyncset.done $0x0;
	s0 =	sshrl.u32 @!p0 s0, $0x3  }
0x103: {  	s31 =	simm.s32 @!p0 $0x18080;
	[sflag:s15] =	ssyncadd.s32 $0xFFFFF800;
	s2 =	sadd.s32 @!p0 s1, s0  }
0x104: {  	[tilespmem:s31], [sflag:$0x1] =	stream.linear.gather @!p0 [hbm4b:s2+s5], $0x800, $0x38;
	[tilespmem:$0x1C180] =	vst v63  }
0x105: {  	s2 =	sadd.s32 @!p0 s3, s0;
	s31 =	simm.s32 @!p0 $0x19080  }
0x106: {  	[tilespmem:s31], [sflag:$0x1] =	stream.linear.gather @!p0 [hbm4b:s2+s5], $0x800, $0x38;
	[tilespmem:$0x1C180] =	vst v63  }
0x107: {  	s0 =	sadd.s32 @!p0 s4, s0;
	s2 =	simm.s32 @!p0 $0x1A080;
	s31 =	sshll.u32 s30, $0xB  }
0x108: {  	[tilespmem:s2], [sflag:$0x1] =	stream.linear.gather @!p0 [hbm4b:s0+s5], $0x800, $0x38;
	[tilespmem:$0x1C180] =	vst v63  }
0x109: {  	s2 =	sadd.s32 s23, s31  }
0x10a: {  	p0 =	slt.s32 s2, $0x3FF800  }
0x10b: {  	s0 =	smov.u32 s2;
	p1 =	sgt.s32 s21, s2;
	s5 =	sadd.s32 $0x800, s2  }
0x10c: {  	s0 =	simm.s32 @!p0 $0x3FF800;
	s2 =	smov.u32 @p1 s21;
	p0 =	slt.s32 s22, s5  }
0x10d: {  	s5 =	smov.u32 @p0 s22;
	p0 =	sne.s32 s2, s0;
	s0 =	sadd.s32 $0x800, s0  }
0x10e: {  	p1 =	seq.s32 @!p0 s5, s0  }
0x10f: {  	p0 =	por p0, !p1  }
.Ltmp10:
0x110: {  	_ = 	snop;
	(pc) =	sbr.rel @p0 .LBB2_13-.Ltmp10, $2  }
0x111: {  	_ =	sdelay $0x2  }
0x112: {  	s30 =	simm.s32 $0x0  }
.LBB2_22:
0x113: {  	s0 =	sshra.s32 s30, $0x2  }
0x114: {  	v3 =	vld [tilespmem:s0+$0x19880];
	_ =	sdelay $0x4  }
0x115: {  	v4 =	vld [tilespmem:s0+$0x18880];
	_ =	sdelay $0x1  }
0x116: {  	v5 =	vld [tilespmem:s0+$0x1A880]  }
0x117: {  	v3 =	vld.idx.msk [tilespmem:v3+s7+$0x0], $0xffff;
	_ =	sdelay $0x1  }
0x118: {  	v4 =	vadd.s32 v4, v1;
	_ =	sdelay $0x2  }
0x119: {  	v3 =	vmul.f32 v3, v5;
	_ =	sdelay $0x1  }
0x11a: {  	[tilespmem:v4+s16+$0x0] =	vst.idx.add.f32.msk $0xffff, v3  }
0x11b: {  	v3 =	vld [tilespmem:s0+$0x19890];
	_ =	sdelay $0x4  }
0x11c: {  	v4 =	vld [tilespmem:s0+$0x18890];
	_ =	sdelay $0x1  }
0x11d: {  	v57 =	vld [tilespmem:s0+$0x1A890]  }
0x11e: {  	v3 =	vld.idx.msk [tilespmem:v3+s7+$0x0], $0xffff;
	_ =	sdelay $0x1  }
0x11f: {  	v4 =	vadd.s32 v4, v1;
	_ =	sdelay $0x2  }
0x120: {  	v3 =	vmul.f32 v3, v57;
	_ =	sdelay $0x1  }
0x121: {  	[tilespmem:v4+s16+$0x0] =	vst.idx.add.f32.msk $0xffff, v3  }
0x122: {  	v3 =	vld [tilespmem:s0+$0x198A0];
	_ =	sdelay $0x4  }
0x123: {  	v4 =	vld [tilespmem:s0+$0x188A0];
	_ =	sdelay $0x1  }
0x124: {  	v58 =	vld [tilespmem:s0+$0x1A8A0]  }
0x125: {  	v3 =	vld.idx.msk [tilespmem:v3+s7+$0x0], $0xffff;
	_ =	sdelay $0x1  }
0x126: {  	v4 =	vadd.s32 v4, v1;
	_ =	sdelay $0x2  }
0x127: {  	v3 =	vmul.f32 v3, v58;
	_ =	sdelay $0x1  }
0x128: {  	[tilespmem:v4+s16+$0x0] =	vst.idx.add.f32.msk $0xffff, v3  }
0x129: {  	v3 =	vld [tilespmem:s0+$0x198B0];
	_ =	sdelay $0x4  }
0x12a: {  	v4 =	vld [tilespmem:s0+$0x188B0];
	_ =	sdelay $0x1  }
0x12b: {  	v59 =	vld [tilespmem:s0+$0x1A8B0]  }
0x12c: {  	v3 =	vld.idx.msk [tilespmem:v3+s7+$0x0], $0xffff;
	_ =	sdelay $0x1  }
0x12d: {  	v4 =	vadd.s32 v4, v1;
	_ =	sdelay $0x2  }
0x12e: {  	v3 =	vmul.f32 v3, v59;
	_ =	sdelay $0x1  }
0x12f: {  	[tilespmem:v4+s16+$0x0] =	vst.idx.add.f32.msk $0xffff, v3  }
0x130: {  	v3 =	vld [tilespmem:s0+$0x198C0];
	_ =	sdelay $0x4  }
0x131: {  	v4 =	vld [tilespmem:s0+$0x188C0];
	_ =	sdelay $0x1  }
0x132: {  	v60 =	vld [tilespmem:s0+$0x1A8C0]  }
0x133: {  	v3 =	vld.idx.msk [tilespmem:v3+s7+$0x0], $0xffff;
	_ =	sdelay $0x1  }
0x134: {  	v4 =	vadd.s32 v4, v1;
	_ =	sdelay $0x2  }
0x135: {  	v3 =	vmul.f32 v3, v60;
	_ =	sdelay $0x1  }
0x136: {  	[tilespmem:v4+s16+$0x0] =	vst.idx.add.f32.msk $0xffff, v3  }
0x137: {  	v3 =	vld [tilespmem:s0+$0x198D0];
	_ =	sdelay $0x4  }
0x138: {  	v4 =	vld [tilespmem:s0+$0x188D0];
	_ =	sdelay $0x1  }
0x139: {  	v61 =	vld [tilespmem:s0+$0x1A8D0]  }
0x13a: {  	v3 =	vld.idx.msk [tilespmem:v3+s7+$0x0], $0xffff;
	_ =	sdelay $0x1  }
0x13b: {  	v4 =	vadd.s32 v4, v1;
	_ =	sdelay $0x2  }
0x13c: {  	v3 =	vmul.f32 v3, v61;
	_ =	sdelay $0x1  }
0x13d: {  	[tilespmem:v4+s16+$0x0] =	vst.idx.add.f32.msk $0xffff, v3  }
0x13e: {  	v3 =	vld [tilespmem:s0+$0x198E0];
	_ =	sdelay $0x4  }
0x13f: {  	v4 =	vld [tilespmem:s0+$0x188E0];
	_ =	sdelay $0x1  }
0x140: {  	v62 =	vld [tilespmem:s0+$0x1A8E0]  }
0x141: {  	v3 =	vld.idx.msk [tilespmem:v3+s7+$0x0], $0xffff;
	_ =	sdelay $0x1  }
0x142: {  	v4 =	vadd.s32 v4, v1;
	_ =	sdelay $0x2  }
0x143: {  	v3 =	vmul.f32 v3, v62;
	_ =	sdelay $0x1  }
0x144: {  	[tilespmem:v4+s16+$0x0] =	vst.idx.add.f32.msk $0xffff, v3  }
0x145: {  	v3 =	vld [tilespmem:s0+$0x198F0];
	_ =	sdelay $0x4  }
0x146: {  	v4 =	vld [tilespmem:s0+$0x188F0];
	_ =	sdelay $0x1  }
0x147: {  	v63 =	vld [tilespmem:s0+$0x1A8F0]  }
0x148: {  	v3 =	vld.idx.msk [tilespmem:v3+s7+$0x0], $0xffff;
	_ =	sdelay $0x1  }
0x149: {  	p0 =	seq.s32 s30, $0x1E00;
	v4 =	vadd.s32 v4, v1  }
.Ltmp11:
0x14a: {  	_ = 	snop;
	(pc) =	sbr.rel @!p0 .LBB2_22-.Ltmp11, $3  }
0x14b: {  	_ = 	snop  }
0x14c: {  	v3 =	vmul.f32 v3, v63;
	_ =	sdelay $0x1  }
0x14d: {  	s30 =	sadd.s32 $0x200, s30;
	[tilespmem:v4+s16+$0x0] =	vst.idx.add.f32.msk $0xffff, v3  }
.Ltmp12:
0x14e: {  	_ = 	snop;
	(pc) =	sbr.rel .LBB2_16-.Ltmp12, $1  }
0x14f: {  	_ =	sdelay $0x3  }
.LBB2_13:
0x150: {  	p0 =	slt.s32 s26, $0x3FF800;
	s30 =	smov.u32 s26  }
0x151: {  	v3 =	vmov s2;
	v4 =	vmov s5;
	s5 =	simm.s32 $0x0;
	s2 =	simm.s32 $0x40;
	s30 =	simm.s32 @!p0 $0x3FF800  }
.LBB2_14:
0x152: {  	p0 =	sne.s32 s2, $0x1FC0;
	v5 =	vld [tilespmem:s5+$0x19880];
	v6 =	vor.u32 s30, v0  }
0x153: {  	vm0 =	vge.s32 v6, v3;
	vm1 =	vlt.s32 v6, v4  }
0x154: {  	vm0 =	vmand vm0, vm1;
	_ =	sdelay $0x2  }
0x155: {  	v6 =	vld [tilespmem:s5+$0x18880];
	_ =	sdelay $0x2  }
0x156: {  	v5 =	vld.idx.msk [tilespmem:v5+s7+$0x0], vm0  }
0x157: {  	v7 =	vld [tilespmem:s5+$0x1A880]  }
0x158: {  	v6 =	vadd.s32 v6, v1  }
0x159: {  	v6 =	vnsel vm0, $0x0, v6  }
.Ltmp13:
0x15a: {  	(pc) =	sbr.rel @p0 .LBB2_14-.Ltmp13, $3  }
0x15b: {  	_ = 	snop  }
0x15c: {  	v5 =	vmul.f32 v5, v7;
	_ =	sdelay $0x1  }
0x15d: {  	s30 =	sadd.s32 $0x10, s30;
	s5 =	sshra.s32 s2, $0x2;
	s2 =	sadd.s32 $0x40, s2;
	[tilespmem:v6+s16+$0x0] =	vst.idx.add.f32.msk vm0, v5  }
0x15e: {  	v5 =	vld [tilespmem:s5+$0x19880];
	v6 =	vor.u32 s30, v0  }
0x15f: {  	vm0 =	vge.s32 v6, v3;
	vm1 =	vlt.s32 v6, v4  }
0x160: {  	vm0 =	vmand vm0, vm1;
	_ =	sdelay $0x1  }
0x161: {  	v3 =	vld [tilespmem:s5+$0x18880];
	_ =	sdelay $0x2  }
0x162: {  	v63 =	vld [tilespmem:s5+$0x1A880]  }
0x163: {  	v62 =	vld.idx.msk [tilespmem:v5+s7+$0x0], vm0  }
0x164: {  	v3 =	vadd.s32 v3, v1  }
0x165: {  	v3 =	vnsel vm0, $0x0, v3  }
.Ltmp14:
0x166: {  	_ = 	snop;
	(pc) =	sbr.rel .LBB2_16-.Ltmp14, $3  }
0x167: {  	_ = 	snop  }
0x168: {  	v4 =	vmul.f32 v62, v63;
	_ =	sdelay $0x1  }
0x169: {  	[tilespmem:v3+s16+$0x0] =	vst.idx.add.f32.msk vm0, v4  }
.LBB2_17:
0x16a: {  	s0 =	simm.s32 $0x0  }
0x16b: {  	[tilespmem:s17], [sflag:$0x2] =	stream.linear.gather [hbm4b:s9+s0], $0x800, $0x38;
	[tilespmem:$0x1C180] =	vst v63  }
0x16c: {  	_ =	swait.ge [sflag:s13], $0x800  }
0x16d: {  	[sflag:s13] =	ssyncset.done $0x0  }
0x16e: {  	[sflag:s13] =	ssyncadd.s32 $0xFFFFF800  }
0x16f: {  	[tilespmem:s18], [sflag:$0x2] =	stream.linear.gather [hbm4b:s10+s0], $0x800, $0x38;
	[tilespmem:$0x1C180] =	vst v63  }
0x170: {  	_ =	swait.ge [sflag:s13], $0x800  }
0x171: {  	[sflag:s13] =	ssyncset.done $0x0  }
0x172: {  	s31 =	simm.s32 $0x0;
	[sflag:s13] =	ssyncadd.s32 $0xFFFFF800  }
0x173: {  	v3 =	vld [tilespmem:s31+$0x10000]  }
0x174: {  	v4 =	vld [tilespmem:s31+$0x10801];
	_ =	sdelay $0x1  }
0x175: {  	v5 =	vld [tilespmem:s31+$0x11002];
	_ =	sdelay $0x1  }
0x176: {  	v6 =	vld [tilespmem:s31+$0x11803]  }
0x177: {  	v3 =	vadd.f32 v4, v3  }
0x178: {  	v4 =	vld [tilespmem:s31+$0x12004]  }
0x179: {  	v3 =	vadd.f32 v5, v3  }
0x17a: {  	v5 =	vld [tilespmem:s31+$0x12805]  }
0x17b: {  	v3 =	vadd.f32 v6, v3  }
0x17c: {  	v6 =	vld [tilespmem:s31+$0x13006]  }
0x17d: {  	v3 =	vadd.f32 v4, v3  }
0x17e: {  	v4 =	vld [tilespmem:s31+$0x13807]  }
0x17f: {  	v3 =	vadd.f32 v5, v3  }
0x180: {  	v5 =	vld [tilespmem:s31+$0x14008]  }
0x181: {  	s21 =	simm.s32 $0x10;
	v7 =	vld [tilespmem:s31+$0x14809];
	v3 =	vadd.f32 v6, v3  }
0x182: {  	v8 =	vld [tilespmem:s21+$0x10000]  }
0x183: {  	v6 =	vld [tilespmem:s31+$0x1500A];
	v3 =	vadd.f32 v4, v3  }
0x184: {  	v4 =	vld [tilespmem:s21+$0x10801]  }
0x185: {  	v9 =	vld [tilespmem:s21+$0x11002];
	v3 =	vadd.f32 v5, v3  }
0x186: {  	v5 =	vld [tilespmem:s31+$0x1580B]  }
0x187: {  	v10 =	vld [tilespmem:s21+$0x11803];
	v3 =	vadd.f32 v7, v3  }
0x188: {  	v7 =	vld [tilespmem:s31+$0x1600C]  }
0x189: {  	v4 =	vadd.f32 v4, v8;
	v8 =	vld [tilespmem:s21+$0x12004];
	v3 =	vadd.f32 v6, v3  }
0x18a: {  	v6 =	vld [tilespmem:s31+$0x1680D]  }
0x18b: {  	v4 =	vadd.f32 v9, v4;
	v9 =	vld [tilespmem:s21+$0x12805];
	v3 =	vadd.f32 v5, v3  }
0x18c: {  	v5 =	vld [tilespmem:s31+$0x1700E]  }
0x18d: {  	v4 =	vadd.f32 v10, v4;
	v10 =	vld [tilespmem:s21+$0x13006];
	v3 =	vadd.f32 v7, v3  }
0x18e: {  	v7 =	vld [tilespmem:s31+$0x1780F]  }
0x18f: {  	v11 =	vld [tilespmem:s31+$0x1B080];
	v4 =	vadd.f32 v8, v4;
	v3 =	vadd.f32 v6, v3  }
0x190: {  	v12 =	vld [tilespmem:s21+$0x13807]  }
0x191: {  	v8 =	vld [tilespmem:s21+$0x14008];
	v6 =	vadd.f32 v9, v4;
	v3 =	vadd.f32 v5, v3  }
0x192: {  	s22 =	simm.s32 $0x20;
	v4 =	vld [tilespmem:s31+$0x1B880]  }
0x193: {  	v9 =	vld [tilespmem:s22+$0x10000];
	v5 =	vadd.f32 v10, v6;
	v13 =	vadd.f32 v7, v3  }
0x194: {  	v7 =	vld [tilespmem:s21+$0x14809]  }
0x195: {  	s23 =	simm.s32 $0xC0;
	v6 =	vld [tilespmem:s21+$0x1500A];
	v3 =	vimm.f32 $0.0e+00;
	v10 =	vadd.f32 v12, v5;
	v5 =	vsub.f32 v13, v11  }
.LBB2_18:
0x196: {  	p0 =	sne.s32 s23, $0x1FC0;
	v11 =	vld [tilespmem:s22+$0x10801]  }
0x197: {  	v8 =	vadd.f32 v8, v10;
	v10 =	vld [tilespmem:s21+$0x1580B];
	v12 =	vsub.f32 $0.0e+00, v5  }
0x198: {  	vm0 =	veq.s32 v4, $0x2;
	vm1 =	veq.s32 v4, $0x3;
	v14 =	vand.u32 $0x7FFFFFFF, v5;
	v13 =	vld [tilespmem:s22+$0x11002]  }
0x199: {  	v14 =	vnsel vm1, $0x0, v14;
	v7 =	vadd.f32 v7, v8;
	v8 =	vld [tilespmem:s21+$0x1600C];
	v12 =	vmax.f32 v12, $0.0e+00  }
0x19a: {  	vm1 =	veq.s32 v4, $0x1;
	v4 =	vmax.f32 v5, $0.0e+00;
	v15 =	vld [tilespmem:s22+$0x11803];
	v5 =	vsel vm0, v12, v14  }
0x19b: {  	v9 =	vadd.f32 v11, v9;
	v6 =	vadd.f32 v6, v7;
	v7 =	vld [tilespmem:s21+$0x1680D];
	v4 =	vsel vm1, v4, v5  }
0x19c: {  	v5 =	vld [tilespmem:s22+$0x12004];
	v3 =	vadd.f32 v4, v3  }
0x19d: {  	v4 =	vadd.f32 v13, v9;
	v6 =	vadd.f32 v10, v6;
	v9 =	vld [tilespmem:s21+$0x1700E]  }
0x19e: {  	v10 =	vld [tilespmem:s22+$0x12805]  }
0x19f: {  	v4 =	vadd.f32 v15, v4;
	v6 =	vadd.f32 v8, v6;
	v11 =	vld [tilespmem:s21+$0x1780F]  }
0x1a0: {  	v12 =	vld [tilespmem:s22+$0x13006]  }
0x1a1: {  	v4 =	vadd.f32 v5, v4;
	v5 =	vadd.f32 v7, v6;
	v13 =	vld [tilespmem:s21+$0x1B080]  }
0x1a2: {  	v14 =	vld [tilespmem:s22+$0x13807]  }
.Ltmp15:
0x1a3: {  	v6 =	vadd.f32 v10, v4;
	v5 =	vadd.f32 v9, v5;
	v4 =	vld [tilespmem:s21+$0x1B880];
	s21 =	smov.u32 s22;
	(pc) =	sbr.rel @p0 .LBB2_18-.Ltmp15, $4  }
0x1a4: {  	v8 =	vld [tilespmem:s21+$0x14008]  }
0x1a5: {  	v10 =	vadd.f32 v12, v6;
	v6 =	vld [tilespmem:s21+$0x1500A];
	v5 =	vadd.f32 v11, v5  }
0x1a6: {  	s22 =	sshra.s32 s23, $0x2;
	v7 =	vld [tilespmem:s21+$0x14809]  }
0x1a7: {  	s23 =	sadd.s32 $0x40, s23;
	v9 =	vld [tilespmem:s22+$0x10000];
	v10 =	vadd.f32 v14, v10;
	v5 =	vsub.f32 v5, v13  }
0x1a8: {  	v11 =	vld [tilespmem:s22+$0x10801];
	_ =	sdelay $0x1  }
0x1a9: {  	v12 =	vld [tilespmem:s22+$0x11002];
	_ =	sdelay $0x1  }
0x1aa: {  	v13 =	vld [tilespmem:s22+$0x11803]  }
0x1ab: {  	v9 =	vadd.f32 v11, v9  }
0x1ac: {  	v34 =	vld [tilespmem:s22+$0x12004]  }
0x1ad: {  	v9 =	vadd.f32 v12, v9  }
0x1ae: {  	v35 =	vld [tilespmem:s22+$0x12805]  }
0x1af: {  	v9 =	vadd.f32 v13, v9  }
0x1b0: {  	v36 =	vld [tilespmem:s22+$0x13006]  }
0x1b1: {  	v9 =	vadd.f32 v34, v9  }
0x1b2: {  	v37 =	vld [tilespmem:s22+$0x13807]  }
0x1b3: {  	v9 =	vadd.f32 v35, v9  }
0x1b4: {  	v38 =	vld [tilespmem:s22+$0x14008]  }
0x1b5: {  	v39 =	vld [tilespmem:s21+$0x1580B];
	v9 =	vadd.f32 v36, v9  }
0x1b6: {  	v40 =	vld [tilespmem:s22+$0x14809];
	v8 =	vadd.f32 v8, v10  }
0x1b7: {  	v41 =	vld [tilespmem:s21+$0x1600C];
	v9 =	vadd.f32 v37, v9  }
0x1b8: {  	v42 =	vld [tilespmem:s22+$0x1500A];
	v7 =	vadd.f32 v7, v8  }
0x1b9: {  	v43 =	vld [tilespmem:s21+$0x1680D];
	v9 =	vadd.f32 v38, v9  }
0x1ba: {  	v44 =	vld [tilespmem:s22+$0x1580B];
	v6 =	vadd.f32 v6, v7  }
0x1bb: {  	v45 =	vld [tilespmem:s21+$0x1700E];
	v9 =	vadd.f32 v40, v9  }
0x1bc: {  	v46 =	vld [tilespmem:s22+$0x1600C];
	v6 =	vadd.f32 v39, v6  }
0x1bd: {  	v47 =	vld [tilespmem:s21+$0x1780F];
	v9 =	vadd.f32 v42, v9  }
0x1be: {  	v48 =	vld [tilespmem:s22+$0x1680D];
	v6 =	vadd.f32 v41, v6  }
0x1bf: {  	v49 =	vld [tilespmem:s21+$0x1B080];
	v9 =	vadd.f32 v44, v9  }
0x1c0: {  	v14 =	vld [tilespmem:s22+$0x1700E];
	v6 =	vadd.f32 v43, v6  }
0x1c1: {  	v15 =	vld [tilespmem:s21+$0x1B880];
	v9 =	vadd.f32 v46, v9  }
0x1c2: {  	vm0 =	veq.s32 v4, $0x2;
	v52 =	vld [tilespmem:s22+$0x1780F];
	v6 =	vadd.f32 v45, v6  }
0x1c3: {  	vm1 =	veq.s32 v4, $0x3;
	vm9 =	veq.s32 v4, $0x1;
	v60 =	vld [tilespmem:s22+$0x1B880];
	v53 =	vadd.f32 v48, v9  }
0x1c4: {  	v56 =	vld [tilespmem:s22+$0x1B080];
	v50 =	vsub.f32 $0.0e+00, v5;
	v51 =	vand.u32 $0x7FFFFFFF, v5;
	v6 =	vadd.f32 v47, v6  }
0x1c5: {  	v54 =	vmax.f32 v5, $0.0e+00;
	v10 =	vnsel vm1, $0x0, v51;
	v58 =	vadd.f32 v14, v53  }
0x1c6: {  	vm10 =	veq.s32 v15, $0x2;
	vm11 =	veq.s32 v15, $0x3;
	v57 =	vsub.f32 v6, v49  }
0x1c7: {  	vm12 =	veq.s32 v15, $0x1;
	v12 =	vmax.f32 v50, $0.0e+00;
	v6 =	vadd.f32 v52, v58  }
0x1c8: {  	vm13 =	veq.s32 v60, $0x3;
	v55 =	vsel vm0, v12, v10;
	v59 =	vsub.f32 $0.0e+00, v57  }
0x1c9: {  	v4 =	vsel vm9, v54, v55;
	v61 =	vand.u32 $0x7FFFFFFF, v57;
	v6 =	vsub.f32 v6, v56  }
0x1ca: {  	v3 =	vadd.f32 v4, v3;
	v8 =	vnsel vm11, $0x0, v61;
	v4 =	vmax.f32 v59, $0.0e+00  }
0x1cb: {  	[tilespmem:$0x1C110] =	vst v2;
	v5 =	vmax.f32 v57, $0.0e+00;
	v4 =	vsel vm10, v4, v8;
	v62 =	vsub.f32 $0.0e+00, v6  }
0x1cc: {  	[tilespmem:$0x1C120] =	vst v2;
	vm14 =	veq.s32 v60, $0x2;
	v4 =	vsel vm12, v5, v4;
	v63 =	vand.u32 $0x7FFFFFFF, v6  }
0x1cd: {  	[tilespmem:$0x1C130] =	vst v2;
	v3 =	vadd.f32 v4, v3;
	v4 =	vnsel vm13, $0x0, v63;
	v5 =	vmax.f32 v62, $0.0e+00  }
0x1ce: {  	[tilespmem:$0x1C140] =	vst v2;
	vm15 =	veq.s32 v60, $0x1;
	v6 =	vmax.f32 v6, $0.0e+00;
	v4 =	vsel vm14, v5, v4  }
0x1cf: {  	[tilespmem:$0x1C150] =	vst v2;
	v4 =	vsel vm15, v6, v4  }
0x1d0: {  	[tilespmem:$0x1C160] =	vst v2;
	s20 =	sadd.s32 $0x1, s20;
	v3 =	vadd.f32 v4, v3  }
0x1d1: {  	[tilespmem:$0x1C170] =	vst v2;
	p0 =	sne.s32 s20, s12  }
.Ltmp16:
0x1d2: {  	[tilespmem:$0x1C100] =	vst v3;
	(pc) =	sbr.rel @p0 .LBB2_1-.Ltmp16, $4  }
0x1d3: {  	[hbm4b:s11+s7] =	stream.linear.scatter [tilespmem:s19], [sflag:$0x2], $0x80, $0x38;
	[tilespmem:$0x1C180] =	vst v63  }
0x1d4: {  	_ =	swait.ge [sflag:s13], $0x80  }
0x1d5: {  	[sflag:s13] =	ssyncset.done $0x0  }
0x1d6: {  	[sflag:s13] =	ssyncadd.s32 $0xFFFFFF80  }
0x1d7: {  	_ =	sfence.sel $0x180000  }
0x1d8: {  	[bflag:$0x0] =	sbarrier.arrive $0xFFFF  }
0x1d9: {  	_ =	strace $0x90000047  }
0x1da: {  	s0 =	stileid.u32;
	[bflag:$0x2] =	sbarrier.arrive $0xFFFF  }
0x1db: {  	p0 =	sne.s32 s0, $0x0;
	s0 =	rddreg [dreg:$0x8]  }
0x1dc: {  	s0 =	sadd.s32 @!p0 $0x100000, s0  }
0x1dd: {  	[sflag:s0] =	ssyncadd.tile.s32 @!p0 $0x1;
	_ =	shalt  }
.Lfunc_end2:
_tile_overlayer_lowered:
.L_overlay_start_2:
0x1de: {  	(tag) =	ssettag $0x2  }
0x1df: {  	s0 =	rddreg [dreg:$0x0];
	s2 =	stileid.u32  }
0x1e0: {  	s1 =	rddreg [dreg:$0x1];
	p0 =	sne.s32 s2, $0x0  }
0x1e1: {  	s3 =	rddreg [dreg:$0x2];
	[bflag:$0x3] =	sbarrier.arrive $0xFFFF;
	s2 =	simm.s32 @!p0 $0x1C02  }
0x1e2: {  	[timem:s3], [sflag:s2] =	dma.local @!p0 [hbm:s0], s1  }
0x1e3: {  	s0 =	simm.s32 @!p0 $0x2  }
0x1e4: {  	_ =	swait.ge @!p0 [sflag:s0], s1  }
0x1e5: {  	s1 =	ssub.s32 @!p0 $0x0, s1;
	[sflag:s0] =	ssyncset.done @!p0 $0x0  }
0x1e6: {  	[sflag:s0] =	ssyncadd.s32 @!p0 s1  }
0x1e7: {  	[bflag:$0x3] =	sbarrier.arrive $0xFFFF  }
0x1e8: {  	_ =	shalt  }

</sc_bundles>
